<compile_context>
chip_gen: v7x
topology: tpu7x:2x2x1
jax: 0.10.2.dev20260603
libtpu: 0.0.44.dev20260713+nightly
codegen_flags: <defaults>
</compile_context>

<pallas_src>
import functools

import jax
import jax.numpy as jnp
from jax import lax
from jax.experimental import pallas as pl
from jax.experimental.pallas import tpu as pltpu
from jax.experimental.pallas import tpu_sc as plsc

EMB = 64
BATCH = 16384

_info = plsc.get_sparse_core_info()
NC, NS, L = _info.num_cores, _info.num_subcores, _info.num_lanes
NW = NC * NS
BPW = BATCH // NW
CHUNK = 256
NCH = BPW // CHUNK

_mesh = plsc.VectorSubcoreMesh(core_axis_name="c", subcore_axis_name="s")


@functools.partial(
    pl.kernel,
    mesh=_mesh,
    out_type=jax.ShapeDtypeStruct((BATCH, EMB), jnp.float32),
    scratch_types=[
        pltpu.VMEM((BPW,), jnp.int32),
        pltpu.VMEM((BPW,), jnp.int32),
        pltpu.VMEM((CHUNK, EMB), jnp.float32),
        pltpu.VMEM((CHUNK, EMB), jnp.float32),
        pltpu.SemaphoreType.DMA,
        pltpu.SemaphoreType.DMA,
        pltpu.SemaphoreType.DMA,
        pltpu.SemaphoreType.DMA,
    ],
)
def _path_encoder(idx_cur_hbm, idx_last_hbm, table_hbm, out_hbm,
                  idx_c_v, idx_l_v, rows_c, rows_l, s0, s1, s2, s3):
    wid = lax.axis_index("s") * NC + lax.axis_index("c")
    base = wid * BPW
    pltpu.sync_copy(idx_cur_hbm.at[pl.ds(base, BPW)], idx_c_v)
    pltpu.sync_copy(idx_last_hbm.at[pl.ds(base, BPW)], idx_l_v)

    def chunk_body(ch, carry):
        off = pl.multiple_of(ch * CHUNK, CHUNK)

        @plsc.parallel_loop(0, CHUNK // L, 1, unroll=2)
        def _fire(g):
            s = pl.multiple_of(g * L, L)
            vals_c = idx_c_v[pl.ds(off + s, L)]
            vals_l = idx_l_v[pl.ds(off + s, L)]
            sems = (s0, s1, s2, s3)
            for j in range(L):
                pltpu.async_copy(
                    table_hbm.at[pl.ds(vals_c[j], 1)],
                    rows_c.at[pl.ds(s + j, 1)], sems[j % 4])
                pltpu.async_copy(
                    table_hbm.at[pl.ds(vals_l[j], 1)],
                    rows_l.at[pl.ds(s + j, 1)], sems[j % 4])
        qtr = CHUNK // 4
        for k, sk in enumerate((s0, s1, s2, s3)):
            pltpu.make_async_copy(
                table_hbm.at[pl.ds(0, qtr)],
                rows_c.at[pl.ds(k * qtr, qtr)], sk).wait()
            pltpu.make_async_copy(
                table_hbm.at[pl.ds(0, qtr)],
                rows_l.at[pl.ds(k * qtr, qtr)], sk).wait()

        def mul(i, carry):
            for c in range(EMB // L):
                a = rows_c[i, pl.ds(c * L, L)]
                b = rows_l[i, pl.ds(c * L, L)]
                rows_c[i, pl.ds(c * L, L)] = a * b
            return carry

        lax.fori_loop(0, CHUNK, mul, 0)
        pltpu.sync_copy(rows_c, out_hbm.at[pl.ds(base + off, CHUNK)])
        return carry

    lax.fori_loop(0, NCH, chunk_body, 0)


def kernel(actionList, table):
    idx = actionList.astype(jnp.int32)
    return _path_encoder(idx[:, 1], idx[:, 0], table)

# --- scband reference (transcript-rebuilt; emitter-appended) ---
"""Pipeline reference for scband-path-encoder-81252191306572 (READ-ONLY COPY).

The authoritative reference and input builder live on the scoring server;
editing this copy changes nothing except your own understanding.
"""

import jax, jax.numpy as jnp
import numpy as np

VOCAB = 1000000
EMB = 64
BATCH = 16384

def setup_inputs(seed: int = 0) -> dict:
    key = jax.random.key(seed)
    k1, k2 = jax.random.split(key, 2)
    actionList = jax.random.randint(k1, (BATCH, 2), 0, VOCAB, dtype=jnp.int64 if jax.config.jax_enable_x64 else jnp.int32)
    table = jax.random.normal(k2, (VOCAB, EMB), dtype=jnp.float32)
    return {"actionList": actionList, "table": table}

def reference(actionList, table):
    # current_node = sample[-1]; last_node = sample[-2]
    current_node = actionList[:, -1]
    last_node = actionList[:, -2]
    current_node_emb = jnp.take(table, current_node, axis=0)
    last_node_emb = jnp.take(table, last_node, axis=0)
    # path length > 1 -> elementwise product of the two node embeddings
    return current_node_emb * last_node_emb

if __name__ == "__main__":
    import jax
    _d = setup_inputs()
    print(jax.jit(kernel)(*tuple(_d.values())))

</pallas_src>

<mosaic_0001>
#map = affine_map<(d0, d1) -> (0)>
#map1 = affine_map<(d0, d1) -> (0, 0)>
module attributes {stable_mosaic.version = 14 : i64} {
  func.func @_path_encoder(%arg0: i32, %arg1: i32, %arg2: memref<16384xi32, #tpu.memory_space<hbm>>, %arg3: memref<16384xi32, #tpu.memory_space<hbm>>, %arg4: memref<1000000x64xf32, #tpu.memory_space<hbm>>, %arg5: memref<16384x64xf32, #tpu.memory_space<hbm>>, %arg6: memref<512xi32, #tpu.memory_space<vmem>>, %arg7: memref<512xi32, #tpu.memory_space<vmem>>, %arg8: memref<256x64xf32, #tpu.memory_space<vmem>>, %arg9: memref<256x64xf32, #tpu.memory_space<vmem>>, %arg10: memref<!tpu.dma_semaphore, #tpu.memory_space<semaphore_mem>>, %arg11: memref<!tpu.dma_semaphore, #tpu.memory_space<semaphore_mem>>, %arg12: memref<!tpu.dma_semaphore, #tpu.memory_space<semaphore_mem>>, %arg13: memref<!tpu.dma_semaphore, #tpu.memory_space<semaphore_mem>>) attributes {dimension_semantics = [#tpu.dimension_semantics<core_parallel>, #tpu.dimension_semantics<subcore_parallel>], iteration_bounds = array<i64: 2, 16>, scalar_prefetch = 0 : i64, scratch_operands = 8 : i64, tpu.core_type = #tpu.core_type<sc_vector_subcore>, window_params = [{transform_indices = #map}, {transform_indices = #map}, {transform_indices = #map1}, {transform_indices = #map1}]} {
    %mul3A = arith.constant 2 : i32
    %mul3A_0 = arith.muli %arg1, %mul3A : i32
    %add3A = arith.addi %mul3A_0, %arg0 : i32
    %mul3A_1 = arith.constant 512 : i32
    %mul3A_2 = arith.muli %add3A, %mul3A_1 : i32
    "tpu.region"() ({
      %run_scoped3A = tpu.sem_alloc : memref<!tpu.dma_semaphore, #tpu.memory_space<semaphore_mem>>
      %dma_start3A = tpu.memref_slice %arg2[%mul3A_2] : memref<16384xi32, #tpu.memory_space<hbm>> -> memref<512xi32, #tpu.memory_space<hbm>>
      %dma_start3A_8 = tpu.memref_slice %arg2[%mul3A_2] : memref<16384xi32, #tpu.memory_space<hbm>> -> memref<512xi32, #tpu.memory_space<hbm>>
      tpu.enqueue_dma source(%dma_start3A_8 : memref<512xi32, #tpu.memory_space<hbm>>) target(%arg6 : memref<512xi32, #tpu.memory_space<vmem>>) target_semaphore(%run_scoped3A : memref<!tpu.dma_semaphore, #tpu.memory_space<semaphore_mem>>)
      %dma_wait3A = tpu.memref_slice %arg2[%mul3A_2] : memref<16384xi32, #tpu.memory_space<hbm>> -> memref<512xi32, #tpu.memory_space<hbm>>
      %dma_wait3A_9 = tpu.memref_slice %arg2[%mul3A_2] : memref<16384xi32, #tpu.memory_space<hbm>> -> memref<512xi32, #tpu.memory_space<hbm>>
      tpu.wait_dma2 semaphore(%run_scoped3A : memref<!tpu.dma_semaphore, #tpu.memory_space<semaphore_mem>>) src(%dma_wait3A_9 : memref<512xi32, #tpu.memory_space<hbm>>) dst(%arg6 : memref<512xi32, #tpu.memory_space<vmem>>)
      tpu.yield
    }) : () -> ()
    "tpu.region"() ({
      %run_scoped3A = tpu.sem_alloc : memref<!tpu.dma_semaphore, #tpu.memory_space<semaphore_mem>>
      %dma_start3A = tpu.memref_slice %arg3[%mul3A_2] : memref<16384xi32, #tpu.memory_space<hbm>> -> memref<512xi32, #tpu.memory_space<hbm>>
      %dma_start3A_8 = tpu.memref_slice %arg3[%mul3A_2] : memref<16384xi32, #tpu.memory_space<hbm>> -> memref<512xi32, #tpu.memory_space<hbm>>
      tpu.enqueue_dma source(%dma_start3A_8 : memref<512xi32, #tpu.memory_space<hbm>>) target(%arg7 : memref<512xi32, #tpu.memory_space<vmem>>) target_semaphore(%run_scoped3A : memref<!tpu.dma_semaphore, #tpu.memory_space<semaphore_mem>>)
      %dma_wait3A = tpu.memref_slice %arg3[%mul3A_2] : memref<16384xi32, #tpu.memory_space<hbm>> -> memref<512xi32, #tpu.memory_space<hbm>>
      %dma_wait3A_9 = tpu.memref_slice %arg3[%mul3A_2] : memref<16384xi32, #tpu.memory_space<hbm>> -> memref<512xi32, #tpu.memory_space<hbm>>
      tpu.wait_dma2 semaphore(%run_scoped3A : memref<!tpu.dma_semaphore, #tpu.memory_space<semaphore_mem>>) src(%dma_wait3A_9 : memref<512xi32, #tpu.memory_space<hbm>>) dst(%arg7 : memref<512xi32, #tpu.memory_space<vmem>>)
      tpu.yield
    }) : () -> ()
    %scan3A = arith.constant 0 : i32
    %scan3A_3 = arith.constant 0 : i32
    %scan3A_4 = arith.constant 2 : i32
    %scan3A_5 = arith.addi %scan3A_3, %scan3A_4 : i32
    %scan3A_6 = arith.constant 1 : i32
    scf.for %scan3A_8 = %scan3A_3 to %scan3A_5 step %scan3A_6  : i32 {
      %mul3A_9 = arith.constant 256 : i32
      %mul3A_10 = arith.muli %scan3A_8, %mul3A_9 : i32
      %multiple_of3A = tpu.assume_multiple %mul3A_10, 256 : i32
      %parallel_loop3A = arith.constant 0 : i32
      %parallel_loop3A_11 = arith.constant 16 : i32
      %parallel_loop3A_12 = arith.constant 1 : i32
      scf.for %parallel_loop3A_115 = %parallel_loop3A to %parallel_loop3A_11 step %parallel_loop3A_12  : i32 {
        %parallel_loop3A_116 = arith.constant 16 : i32
        %parallel_loop3A_117 = arith.muli %parallel_loop3A_115, %parallel_loop3A_116 : i32
        %parallel_loop3A_118 = tpu.assume_multiple %parallel_loop3A_117, 16 : i32
        %parallel_loop3A_119 = arith.addi %multiple_of3A, %parallel_loop3A_118 : i32
        %parallel_loop3A_120 = arith.index_cast %parallel_loop3A_119 : i32 to index
        %parallel_loop3A_121 = tpu.vector_load %arg6[%parallel_loop3A_120] {strides = array<i32>} : memref<512xi32, #tpu.memory_space<vmem>>, vector<16xi32>,
        %parallel_loop3A_122 = vector.shape_cast %parallel_loop3A_121 : vector<16xi32> to vector<16xi32>
        %parallel_loop3A_123 = arith.addi %multiple_of3A, %parallel_loop3A_118 : i32
        %parallel_loop3A_124 = arith.index_cast %parallel_loop3A_123 : i32 to index
        %parallel_loop3A_125 = tpu.vector_load %arg7[%parallel_loop3A_124] {strides = array<i32>} : memref<512xi32, #tpu.memory_space<vmem>>, vector<16xi32>,
        %parallel_loop3A_126 = vector.shape_cast %parallel_loop3A_125 : vector<16xi32> to vector<16xi32>
        %parallel_loop3A_127 = vector.extract_strided_slice %parallel_loop3A_122 {offsets = [0], sizes = [1], strides = [1]} : vector<16xi32> to vector<1xi32>
        %parallel_loop3A_128 = vector.extract %parallel_loop3A_127[0] : i32 from vector<1xi32>
        %parallel_loop3A_129 = arith.constant 0 : i32
        %parallel_loop3A_130 = arith.addi %parallel_loop3A_118, %parallel_loop3A_129 : i32
        %parallel_loop3A_131 = arith.constant 0 : i32
        %parallel_loop3A_132 = tpu.memref_slice %arg8[%parallel_loop3A_130, %parallel_loop3A_131] : memref<256x64xf32, #tpu.memory_space<vmem>> -> memref<1x64xf32, #tpu.memory_space<vmem>>
        %parallel_loop3A_133 = arith.constant 0 : i32
        %parallel_loop3A_134 = tpu.memref_slice %arg4[%parallel_loop3A_128, %parallel_loop3A_133] : memref<1000000x64xf32, #tpu.memory_space<hbm>> -> memref<1x64xf32, #tpu.memory_space<hbm>>
        %parallel_loop3A_135 = arith.constant 0 : i32
        %parallel_loop3A_136 = tpu.memref_slice %arg8[%parallel_loop3A_130, %parallel_loop3A_135] : memref<256x64xf32, #tpu.memory_space<vmem>> -> memref<1x64xf32, #tpu.memory_space<vmem>>
        %parallel_loop3A_137 = arith.constant 0 : i32
        %parallel_loop3A_138 = tpu.memref_slice %arg4[%parallel_loop3A_128, %parallel_loop3A_137] : memref<1000000x64xf32, #tpu.memory_space<hbm>> -> memref<1x64xf32, #tpu.memory_space<hbm>>
        tpu.enqueue_dma source(%parallel_loop3A_138 : memref<1x64xf32, #tpu.memory_space<hbm>>) target(%parallel_loop3A_136 : memref<1x64xf32, #tpu.memory_space<vmem>>) target_semaphore(%arg10 : memref<!tpu.dma_semaphore, #tpu.memory_space<semaphore_mem>>)
        %parallel_loop3A_139 = vector.extract_strided_slice %parallel_loop3A_126 {offsets = [0], sizes = [1], strides = [1]} : vector<16xi32> to vector<1xi32>
        %parallel_loop3A_140 = vector.extract %parallel_loop3A_139[0] : i32 from vector<1xi32>
        %parallel_loop3A_141 = arith.constant 0 : i32
        %parallel_loop3A_142 = arith.addi %parallel_loop3A_118, %parallel_loop3A_141 : i32
        %parallel_loop3A_143 = arith.constant 0 : i32
        %parallel_loop3A_144 = tpu.memref_slice %arg9[%parallel_loop3A_142, %parallel_loop3A_143] : memref<256x64xf32, #tpu.memory_space<vmem>> -> memref<1x64xf32, #tpu.memory_space<vmem>>
        %parallel_loop3A_145 = arith.constant 0 : i32
        %parallel_loop3A_146 = tpu.memref_slice %arg4[%parallel_loop3A_140, %parallel_loop3A_145] : memref<1000000x64xf32, #tpu.memory_space<hbm>> -> memref<1x64xf32, #tpu.memory_space<hbm>>
        %parallel_loop3A_147 = arith.constant 0 : i32
        %parallel_loop3A_148 = tpu.memref_slice %arg9[%parallel_loop3A_142, %parallel_loop3A_147] : memref<256x64xf32, #tpu.memory_space<vmem>> -> memref<1x64xf32, #tpu.memory_space<vmem>>
        %parallel_loop3A_149 = arith.constant 0 : i32
        %parallel_loop3A_150 = tpu.memref_slice %arg4[%parallel_loop3A_140, %parallel_loop3A_149] : memref<1000000x64xf32, #tpu.memory_space<hbm>> -> memref<1x64xf32, #tpu.memory_space<hbm>>
        tpu.enqueue_dma source(%parallel_loop3A_150 : memref<1x64xf32, #tpu.memory_space<hbm>>) target(%parallel_loop3A_148 : memref<1x64xf32, #tpu.memory_space<vmem>>) target_semaphore(%arg10 : memref<!tpu.dma_semaphore, #tpu.memory_space<semaphore_mem>>)
        %parallel_loop3A_151 = vector.extract_strided_slice %parallel_loop3A_122 {offsets = [1], sizes = [1], strides = [1]} : vector<16xi32> to vector<1xi32>
        %parallel_loop3A_152 = vector.extract %parallel_loop3A_151[0] : i32 from vector<1xi32>
        %parallel_loop3A_153 = arith.constant 1 : i32
        %parallel_loop3A_154 = arith.addi %parallel_loop3A_118, %parallel_loop3A_153 : i32
        %parallel_loop3A_155 = arith.constant 0 : i32
        %parallel_loop3A_156 = tpu.memref_slice %arg8[%parallel_loop3A_154, %parallel_loop3A_155] : memref<256x64xf32, #tpu.memory_space<vmem>> -> memref<1x64xf32, #tpu.memory_space<vmem>>
        %parallel_loop3A_157 = arith.constant 0 : i32
        %parallel_loop3A_158 = tpu.memref_slice %arg4[%parallel_loop3A_152, %parallel_loop3A_157] : memref<1000000x64xf32, #tpu.memory_space<hbm>> -> memref<1x64xf32, #tpu.memory_space<hbm>>
        %parallel_loop3A_159 = arith.constant 0 : i32
        %parallel_loop3A_160 = tpu.memref_slice %arg8[%parallel_loop3A_154, %parallel_loop3A_159] : memref<256x64xf32, #tpu.memory_space<vmem>> -> memref<1x64xf32, #tpu.memory_space<vmem>>
        %parallel_loop3A_161 = arith.constant 0 : i32
        %parallel_loop3A_162 = tpu.memref_slice %arg4[%parallel_loop3A_152, %parallel_loop3A_161] : memref<1000000x64xf32, #tpu.memory_space<hbm>> -> memref<1x64xf32, #tpu.memory_space<hbm>>
        tpu.enqueue_dma source(%parallel_loop3A_162 : memref<1x64xf32, #tpu.memory_space<hbm>>) target(%parallel_loop3A_160 : memref<1x64xf32, #tpu.memory_space<vmem>>) target_semaphore(%arg11 : memref<!tpu.dma_semaphore, #tpu.memory_space<semaphore_mem>>)
        %parallel_loop3A_163 = vector.extract_strided_slice %parallel_loop3A_126 {offsets = [1], sizes = [1], strides = [1]} : vector<16xi32> to vector<1xi32>
        %parallel_loop3A_164 = vector.extract %parallel_loop3A_163[0] : i32 from vector<1xi32>
        %parallel_loop3A_165 = arith.constant 1 : i32
        %parallel_loop3A_166 = arith.addi %parallel_loop3A_118, %parallel_loop3A_165 : i32
        %parallel_loop3A_167 = arith.constant 0 : i32
        %parallel_loop3A_168 = tpu.memref_slice %arg9[%parallel_loop3A_166, %parallel_loop3A_167] : memref<256x64xf32, #tpu.memory_space<vmem>> -> memref<1x64xf32, #tpu.memory_space<vmem>>
        %parallel_loop3A_169 = arith.constant 0 : i32
        %parallel_loop3A_170 = tpu.memref_slice %arg4[%parallel_loop3A_164, %parallel_loop3A_169] : memref<1000000x64xf32, #tpu.memory_space<hbm>> -> memref<1x64xf32, #tpu.memory_space<hbm>>
        %parallel_loop3A_171 = arith.constant 0 : i32
        %parallel_loop3A_172 = tpu.memref_slice %arg9[%parallel_loop3A_166, %parallel_loop3A_171] : memref<256x64xf32, #tpu.memory_space<vmem>> -> memref<1x64xf32, #tpu.memory_space<vmem>>
        %parallel_loop3A_173 = arith.constant 0 : i32
        %parallel_loop3A_174 = tpu.memref_slice %arg4[%parallel_loop3A_164, %parallel_loop3A_173] : memref<1000000x64xf32, #tpu.memory_space<hbm>> -> memref<1x64xf32, #tpu.memory_space<hbm>>
        tpu.enqueue_dma source(%parallel_loop3A_174 : memref<1x64xf32, #tpu.memory_space<hbm>>) target(%parallel_loop3A_172 : memref<1x64xf32, #tpu.memory_space<vmem>>) target_semaphore(%arg11 : memref<!tpu.dma_semaphore, #tpu.memory_space<semaphore_mem>>)
        %parallel_loop3A_175 = vector.extract_strided_slice %parallel_loop3A_122 {offsets = [2], sizes = [1], strides = [1]} : vector<16xi32> to vector<1xi32>
        %parallel_loop3A_176 = vector.extract %parallel_loop3A_175[0] : i32 from vector<1xi32>
        %parallel_loop3A_177 = arith.constant 2 : i32
        %parallel_loop3A_178 = arith.addi %parallel_loop3A_118, %parallel_loop3A_177 : i32
        %parallel_loop3A_179 = arith.constant 0 : i32
        %parallel_loop3A_180 = tpu.memref_slice %arg8[%parallel_loop3A_178, %parallel_loop3A_179] : memref<256x64xf32, #tpu.memory_space<vmem>> -> memref<1x64xf32, #tpu.memory_space<vmem>>
        %parallel_loop3A_181 = arith.constant 0 : i32
        %parallel_loop3A_182 = tpu.memref_slice %arg4[%parallel_loop3A_176, %parallel_loop3A_181] : memref<1000000x64xf32, #tpu.memory_space<hbm>> -> memref<1x64xf32, #tpu.memory_space<hbm>>
        %parallel_loop3A_183 = arith.constant 0 : i32
        %parallel_loop3A_184 = tpu.memref_slice %arg8[%parallel_loop3A_178, %parallel_loop3A_183] : memref<256x64xf32, #tpu.memory_space<vmem>> -> memref<1x64xf32, #tpu.memory_space<vmem>>
        %parallel_loop3A_185 = arith.constant 0 : i32
        %parallel_loop3A_186 = tpu.memref_slice %arg4[%parallel_loop3A_176, %parallel_loop3A_185] : memref<1000000x64xf32, #tpu.memory_space<hbm>> -> memref<1x64xf32, #tpu.memory_space<hbm>>
        tpu.enqueue_dma source(%parallel_loop3A_186 : memref<1x64xf32, #tpu.memory_space<hbm>>) target(%parallel_loop3A_184 : memref<1x64xf32, #tpu.memory_space<vmem>>) target_semaphore(%arg12 : memref<!tpu.dma_semaphore, #tpu.memory_space<semaphore_mem>>)
        %parallel_loop3A_187 = vector.extract_strided_slice %parallel_loop3A_126 {offsets = [2], sizes = [1], strides = [1]} : vector<16xi32> to vector<1xi32>
        %parallel_loop3A_188 = vector.extract %parallel_loop3A_187[0] : i32 from vector<1xi32>
        %parallel_loop3A_189 = arith.constant 2 : i32
        %parallel_loop3A_190 = arith.addi %parallel_loop3A_118, %parallel_loop3A_189 : i32
        %parallel_loop3A_191 = arith.constant 0 : i32
        %parallel_loop3A_192 = tpu.memref_slice %arg9[%parallel_loop3A_190, %parallel_loop3A_191] : memref<256x64xf32, #tpu.memory_space<vmem>> -> memref<1x64xf32, #tpu.memory_space<vmem>>
        %parallel_loop3A_193 = arith.constant 0 : i32
        %parallel_loop3A_194 = tpu.memref_slice %arg4[%parallel_loop3A_188, %parallel_loop3A_193] : memref<1000000x64xf32, #tpu.memory_space<hbm>> -> memref<1x64xf32, #tpu.memory_space<hbm>>
        %parallel_loop3A_195 = arith.constant 0 : i32
        %parallel_loop3A_196 = tpu.memref_slice %arg9[%parallel_loop3A_190, %parallel_loop3A_195] : memref<256x64xf32, #tpu.memory_space<vmem>> -> memref<1x64xf32, #tpu.memory_space<vmem>>
        %parallel_loop3A_197 = arith.constant 0 : i32
        %parallel_loop3A_198 = tpu.memref_slice %arg4[%parallel_loop3A_188, %parallel_loop3A_197] : memref<1000000x64xf32, #tpu.memory_space<hbm>> -> memref<1x64xf32, #tpu.memory_space<hbm>>
        tpu.enqueue_dma source(%parallel_loop3A_198 : memref<1x64xf32, #tpu.memory_space<hbm>>) target(%parallel_loop3A_196 : memref<1x64xf32, #tpu.memory_space<vmem>>) target_semaphore(%arg12 : memref<!tpu.dma_semaphore, #tpu.memory_space<semaphore_mem>>)
        %parallel_loop3A_199 = vector.extract_strided_slice %parallel_loop3A_122 {offsets = [3], sizes = [1], strides = [1]} : vector<16xi32> to vector<1xi32>
        %parallel_loop3A_200 = vector.extract %parallel_loop3A_199[0] : i32 from vector<1xi32>
        %parallel_loop3A_201 = arith.constant 3 : i32
        %parallel_loop3A_202 = arith.addi %parallel_loop3A_118, %parallel_loop3A_201 : i32
        %parallel_loop3A_203 = arith.constant 0 : i32
        %parallel_loop3A_204 = tpu.memref_slice %arg8[%parallel_loop3A_202, %parallel_loop3A_203] : memref<256x64xf32, #tpu.memory_space<vmem>> -> memref<1x64xf32, #tpu.memory_space<vmem>>
        %parallel_loop3A_205 = arith.constant 0 : i32
        %parallel_loop3A_206 = tpu.memref_slice %arg4[%parallel_loop3A_200, %parallel_loop3A_205] : memref<1000000x64xf32, #tpu.memory_space<hbm>> -> memref<1x64xf32, #tpu.memory_space<hbm>>
        %parallel_loop3A_207 = arith.constant 0 : i32
        %parallel_loop3A_208 = tpu.memref_slice %arg8[%parallel_loop3A_202, %parallel_loop3A_207] : memref<256x64xf32, #tpu.memory_space<vmem>> -> memref<1x64xf32, #tpu.memory_space<vmem>>
        %parallel_loop3A_209 = arith.constant 0 : i32
        %parallel_loop3A_210 = tpu.memref_slice %arg4[%parallel_loop3A_200, %parallel_loop3A_209] : memref<1000000x64xf32, #tpu.memory_space<hbm>> -> memref<1x64xf32, #tpu.memory_space<hbm>>
        tpu.enqueue_dma source(%parallel_loop3A_210 : memref<1x64xf32, #tpu.memory_space<hbm>>) target(%parallel_loop3A_208 : memref<1x64xf32, #tpu.memory_space<vmem>>) target_semaphore(%arg13 : memref<!tpu.dma_semaphore, #tpu.memory_space<semaphore_mem>>)
        %parallel_loop3A_211 = vector.extract_strided_slice %parallel_loop3A_126 {offsets = [3], sizes = [1], strides = [1]} : vector<16xi32> to vector<1xi32>
        %parallel_loop3A_212 = vector.extract %parallel_loop3A_211[0] : i32 from vector<1xi32>
        %parallel_loop3A_213 = arith.constant 3 : i32
        %parallel_loop3A_214 = arith.addi %parallel_loop3A_118, %parallel_loop3A_213 : i32
        %parallel_loop3A_215 = arith.constant 0 : i32
        %parallel_loop3A_216 = tpu.memref_slice %arg9[%parallel_loop3A_214, %parallel_loop3A_215] : memref<256x64xf32, #tpu.memory_space<vmem>> -> memref<1x64xf32, #tpu.memory_space<vmem>>
        %parallel_loop3A_217 = arith.constant 0 : i32
        %parallel_loop3A_218 = tpu.memref_slice %arg4[%parallel_loop3A_212, %parallel_loop3A_217] : memref<1000000x64xf32, #tpu.memory_space<hbm>> -> memref<1x64xf32, #tpu.memory_space<hbm>>
        %parallel_loop3A_219 = arith.constant 0 : i32
        %parallel_loop3A_220 = tpu.memref_slice %arg9[%parallel_loop3A_214, %parallel_loop3A_219] : memref<256x64xf32, #tpu.memory_space<vmem>> -> memref<1x64xf32, #tpu.memory_space<vmem>>
        %parallel_loop3A_221 = arith.constant 0 : i32
        %parallel_loop3A_222 = tpu.memref_slice %arg4[%parallel_loop3A_212, %parallel_loop3A_221] : memref<1000000x64xf32, #tpu.memory_space<hbm>> -> memref<1x64xf32, #tpu.memory_space<hbm>>
        tpu.enqueue_dma source(%parallel_loop3A_222 : memref<1x64xf32, #tpu.memory_space<hbm>>) target(%parallel_loop3A_220 : memref<1x64xf32, #tpu.memory_space<vmem>>) target_semaphore(%arg13 : memref<!tpu.dma_semaphore, #tpu.memory_space<semaphore_mem>>)
        %parallel_loop3A_223 = vector.extract_strided_slice %parallel_loop3A_122 {offsets = [4], sizes = [1], strides = [1]} : vector<16xi32> to vector<1xi32>
        %parallel_loop3A_224 = vector.extract %parallel_loop3A_223[0] : i32 from vector<1xi32>
        %parallel_loop3A_225 = arith.constant 4 : i32
        %parallel_loop3A_226 = arith.addi %parallel_loop3A_118, %parallel_loop3A_225 : i32
        %parallel_loop3A_227 = arith.constant 0 : i32
        %parallel_loop3A_228 = tpu.memref_slice %arg8[%parallel_loop3A_226, %parallel_loop3A_227] : memref<256x64xf32, #tpu.memory_space<vmem>> -> memref<1x64xf32, #tpu.memory_space<vmem>>
        %parallel_loop3A_229 = arith.constant 0 : i32
        %parallel_loop3A_230 = tpu.memref_slice %arg4[%parallel_loop3A_224, %parallel_loop3A_229] : memref<1000000x64xf32, #tpu.memory_space<hbm>> -> memref<1x64xf32, #tpu.memory_space<hbm>>
        %parallel_loop3A_231 = arith.constant 0 : i32
        %parallel_loop3A_232 = tpu.memref_slice %arg8[%parallel_loop3A_226, %parallel_loop3A_231] : memref<256x64xf32, #tpu.memory_space<vmem>> -> memref<1x64xf32, #tpu.memory_space<vmem>>
        %parallel_loop3A_233 = arith.constant 0 : i32
        %parallel_loop3A_234 = tpu.memref_slice %arg4[%parallel_loop3A_224, %parallel_loop3A_233] : memref<1000000x64xf32, #tpu.memory_space<hbm>> -> memref<1x64xf32, #tpu.memory_space<hbm>>
        tpu.enqueue_dma source(%parallel_loop3A_234 : memref<1x64xf32, #tpu.memory_space<hbm>>) target(%parallel_loop3A_232 : memref<1x64xf32, #tpu.memory_space<vmem>>) target_semaphore(%arg10 : memref<!tpu.dma_semaphore, #tpu.memory_space<semaphore_mem>>)
        %parallel_loop3A_235 = vector.extract_strided_slice %parallel_loop3A_126 {offsets = [4], sizes = [1], strides = [1]} : vector<16xi32> to vector<1xi32>
        %parallel_loop3A_236 = vector.extract %parallel_loop3A_235[0] : i32 from vector<1xi32>
        %parallel_loop3A_237 = arith.constant 4 : i32
        %parallel_loop3A_238 = arith.addi %parallel_loop3A_118, %parallel_loop3A_237 : i32
        %parallel_loop3A_239 = arith.constant 0 : i32
        %parallel_loop3A_240 = tpu.memref_slice %arg9[%parallel_loop3A_238, %parallel_loop3A_239] : memref<256x64xf32, #tpu.memory_space<vmem>> -> memref<1x64xf32, #tpu.memory_space<vmem>>
        %parallel_loop3A_241 = arith.constant 0 : i32
        %parallel_loop3A_242 = tpu.memref_slice %arg4[%parallel_loop3A_236, %parallel_loop3A_241] : memref<1000000x64xf32, #tpu.memory_space<hbm>> -> memref<1x64xf32, #tpu.memory_space<hbm>>
        %parallel_loop3A_243 = arith.constant 0 : i32
        %parallel_loop3A_244 = tpu.memref_slice %arg9[%parallel_loop3A_238, %parallel_loop3A_243] : memref<256x64xf32, #tpu.memory_space<vmem>> -> memref<1x64xf32, #tpu.memory_space<vmem>>
        %parallel_loop3A_245 = arith.constant 0 : i32
        %parallel_loop3A_246 = tpu.memref_slice %arg4[%parallel_loop3A_236, %parallel_loop3A_245] : memref<1000000x64xf32, #tpu.memory_space<hbm>> -> memref<1x64xf32, #tpu.memory_space<hbm>>
        tpu.enqueue_dma source(%parallel_loop3A_246 : memref<1x64xf32, #tpu.memory_space<hbm>>) target(%parallel_loop3A_244 : memref<1x64xf32, #tpu.memory_space<vmem>>) target_semaphore(%arg10 : memref<!tpu.dma_semaphore, #tpu.memory_space<semaphore_mem>>)
        %parallel_loop3A_247 = vector.extract_strided_slice %parallel_loop3A_122 {offsets = [5], sizes = [1], strides = [1]} : vector<16xi32> to vector<1xi32>
        %parallel_loop3A_248 = vector.extract %parallel_loop3A_247[0] : i32 from vector<1xi32>
        %parallel_loop3A_249 = arith.constant 5 : i32
        %parallel_loop3A_250 = arith.addi %parallel_loop3A_118, %parallel_loop3A_249 : i32
        %parallel_loop3A_251 = arith.constant 0 : i32
        %parallel_loop3A_252 = tpu.memref_slice %arg8[%parallel_loop3A_250, %parallel_loop3A_251] : memref<256x64xf32, #tpu.memory_space<vmem>> -> memref<1x64xf32, #tpu.memory_space<vmem>>
        %parallel_loop3A_253 = arith.constant 0 : i32
        %parallel_loop3A_254 = tpu.memref_slice %arg4[%parallel_loop3A_248, %parallel_loop3A_253] : memref<1000000x64xf32, #tpu.memory_space<hbm>> -> memref<1x64xf32, #tpu.memory_space<hbm>>
        %parallel_loop3A_255 = arith.constant 0 : i32
        %parallel_loop3A_256 = tpu.memref_slice %arg8[%parallel_loop3A_250, %parallel_loop3A_255] : memref<256x64xf32, #tpu.memory_space<vmem>> -> memref<1x64xf32, #tpu.memory_space<vmem>>
        %parallel_loop3A_257 = arith.constant 0 : i32
        %parallel_loop3A_258 = tpu.memref_slice %arg4[%parallel_loop3A_248, %parallel_loop3A_257] : memref<1000000x64xf32, #tpu.memory_space<hbm>> -> memref<1x64xf32, #tpu.memory_space<hbm>>
        tpu.enqueue_dma source(%parallel_loop3A_258 : memref<1x64xf32, #tpu.memory_space<hbm>>) target(%parallel_loop3A_256 : memref<1x64xf32, #tpu.memory_space<vmem>>) target_semaphore(%arg11 : memref<!tpu.dma_semaphore, #tpu.memory_space<semaphore_mem>>)
        %parallel_loop3A_259 = vector.extract_strided_slice %parallel_loop3A_126 {offsets = [5], sizes = [1], strides = [1]} : vector<16xi32> to vector<1xi32>
        %parallel_loop3A_260 = vector.extract %parallel_loop3A_259[0] : i32 from vector<1xi32>
        %parallel_loop3A_261 = arith.constant 5 : i32
        %parallel_loop3A_262 = arith.addi %parallel_loop3A_118, %parallel_loop3A_261 : i32
        %parallel_loop3A_263 = arith.constant 0 : i32
        %parallel_loop3A_264 = tpu.memref_slice %arg9[%parallel_loop3A_262, %parallel_loop3A_263] : memref<256x64xf32, #tpu.memory_space<vmem>> -> memref<1x64xf32, #tpu.memory_space<vmem>>
        %parallel_loop3A_265 = arith.constant 0 : i32
        %parallel_loop3A_266 = tpu.memref_slice %arg4[%parallel_loop3A_260, %parallel_loop3A_265] : memref<1000000x64xf32, #tpu.memory_space<hbm>> -> memref<1x64xf32, #tpu.memory_space<hbm>>
        %parallel_loop3A_267 = arith.constant 0 : i32
        %parallel_loop3A_268 = tpu.memref_slice %arg9[%parallel_loop3A_262, %parallel_loop3A_267] : memref<256x64xf32, #tpu.memory_space<vmem>> -> memref<1x64xf32, #tpu.memory_space<vmem>>
        %parallel_loop3A_269 = arith.constant 0 : i32
        %parallel_loop3A_270 = tpu.memref_slice %arg4[%parallel_loop3A_260, %parallel_loop3A_269] : memref<1000000x64xf32, #tpu.memory_space<hbm>> -> memref<1x64xf32, #tpu.memory_space<hbm>>
        tpu.enqueue_dma source(%parallel_loop3A_270 : memref<1x64xf32, #tpu.memory_space<hbm>>) target(%parallel_loop3A_268 : memref<1x64xf32, #tpu.memory_space<vmem>>) target_semaphore(%arg11 : memref<!tpu.dma_semaphore, #tpu.memory_space<semaphore_mem>>)
        %parallel_loop3A_271 = vector.extract_strided_slice %parallel_loop3A_122 {offsets = [6], sizes = [1], strides = [1]} : vector<16xi32> to vector<1xi32>
        %parallel_loop3A_272 = vector.extract %parallel_loop3A_271[0] : i32 from vector<1xi32>
        %parallel_loop3A_273 = arith.constant 6 : i32
        %parallel_loop3A_274 = arith.addi %parallel_loop3A_118, %parallel_loop3A_273 : i32
        %parallel_loop3A_275 = arith.constant 0 : i32
        %parallel_loop3A_276 = tpu.memref_slice %arg8[%parallel_loop3A_274, %parallel_loop3A_275] : memref<256x64xf32, #tpu.memory_space<vmem>> -> memref<1x64xf32, #tpu.memory_space<vmem>>
        %parallel_loop3A_277 = arith.constant 0 : i32
        %parallel_loop3A_278 = tpu.memref_slice %arg4[%parallel_loop3A_272, %parallel_loop3A_277] : memref<1000000x64xf32, #tpu.memory_space<hbm>> -> memref<1x64xf32, #tpu.memory_space<hbm>>
        %parallel_loop3A_279 = arith.constant 0 : i32
        %parallel_loop3A_280 = tpu.memref_slice %arg8[%parallel_loop3A_274, %parallel_loop3A_279] : memref<256x64xf32, #tpu.memory_space<vmem>> -> memref<1x64xf32, #tpu.memory_space<vmem>>
        %parallel_loop3A_281 = arith.constant 0 : i32
        %parallel_loop3A_282 = tpu.memref_slice %arg4[%parallel_loop3A_272, %parallel_loop3A_281] : memref<1000000x64xf32, #tpu.memory_space<hbm>> -> memref<1x64xf32, #tpu.memory_space<hbm>>
        tpu.enqueue_dma source(%parallel_loop3A_282 : memref<1x64xf32, #tpu.memory_space<hbm>>) target(%parallel_loop3A_280 : memref<1x64xf32, #tpu.memory_space<vmem>>) target_semaphore(%arg12 : memref<!tpu.dma_semaphore, #tpu.memory_space<semaphore_mem>>)
        %parallel_loop3A_283 = vector.extract_strided_slice %parallel_loop3A_126 {offsets = [6], sizes = [1], strides = [1]} : vector<16xi32> to vector<1xi32>
        %parallel_loop3A_284 = vector.extract %parallel_loop3A_283[0] : i32 from vector<1xi32>
        %parallel_loop3A_285 = arith.constant 6 : i32
        %parallel_loop3A_286 = arith.addi %parallel_loop3A_118, %parallel_loop3A_285 : i32
        %parallel_loop3A_287 = arith.constant 0 : i32
        %parallel_loop3A_288 = tpu.memref_slice %arg9[%parallel_loop3A_286, %parallel_loop3A_287] : memref<256x64xf32, #tpu.memory_space<vmem>> -> memref<1x64xf32, #tpu.memory_space<vmem>>
        %parallel_loop3A_289 = arith.constant 0 : i32
        %parallel_loop3A_290 = tpu.memref_slice %arg4[%parallel_loop3A_284, %parallel_loop3A_289] : memref<1000000x64xf32, #tpu.memory_space<hbm>> -> memref<1x64xf32, #tpu.memory_space<hbm>>
        %parallel_loop3A_291 = arith.constant 0 : i32
        %parallel_loop3A_292 = tpu.memref_slice %arg9[%parallel_loop3A_286, %parallel_loop3A_291] : memref<256x64xf32, #tpu.memory_space<vmem>> -> memref<1x64xf32, #tpu.memory_space<vmem>>
        %parallel_loop3A_293 = arith.constant 0 : i32
        %parallel_loop3A_294 = tpu.memref_slice %arg4[%parallel_loop3A_284, %parallel_loop3A_293] : memref<1000000x64xf32, #tpu.memory_space<hbm>> -> memref<1x64xf32, #tpu.memory_space<hbm>>
        tpu.enqueue_dma source(%parallel_loop3A_294 : memref<1x64xf32, #tpu.memory_space<hbm>>) target(%parallel_loop3A_292 : memref<1x64xf32, #tpu.memory_space<vmem>>) target_semaphore(%arg12 : memref<!tpu.dma_semaphore, #tpu.memory_space<semaphore_mem>>)
        %parallel_loop3A_295 = vector.extract_strided_slice %parallel_loop3A_122 {offsets = [7], sizes = [1], strides = [1]} : vector<16xi32> to vector<1xi32>
        %parallel_loop3A_296 = vector.extract %parallel_loop3A_295[0] : i32 from vector<1xi32>
        %parallel_loop3A_297 = arith.constant 7 : i32
        %parallel_loop3A_298 = arith.addi %parallel_loop3A_118, %parallel_loop3A_297 : i32
        %parallel_loop3A_299 = arith.constant 0 : i32
        %parallel_loop3A_300 = tpu.memref_slice %arg8[%parallel_loop3A_298, %parallel_loop3A_299] : memref<256x64xf32, #tpu.memory_space<vmem>> -> memref<1x64xf32, #tpu.memory_space<vmem>>
        %parallel_loop3A_301 = arith.constant 0 : i32
        %parallel_loop3A_302 = tpu.memref_slice %arg4[%parallel_loop3A_296, %parallel_loop3A_301] : memref<1000000x64xf32, #tpu.memory_space<hbm>> -> memref<1x64xf32, #tpu.memory_space<hbm>>
        %parallel_loop3A_303 = arith.constant 0 : i32
        %parallel_loop3A_304 = tpu.memref_slice %arg8[%parallel_loop3A_298, %parallel_loop3A_303] : memref<256x64xf32, #tpu.memory_space<vmem>> -> memref<1x64xf32, #tpu.memory_space<vmem>>
        %parallel_loop3A_305 = arith.constant 0 : i32
        %parallel_loop3A_306 = tpu.memref_slice %arg4[%parallel_loop3A_296, %parallel_loop3A_305] : memref<1000000x64xf32, #tpu.memory_space<hbm>> -> memref<1x64xf32, #tpu.memory_space<hbm>>
        tpu.enqueue_dma source(%parallel_loop3A_306 : memref<1x64xf32, #tpu.memory_space<hbm>>) target(%parallel_loop3A_304 : memref<1x64xf32, #tpu.memory_space<vmem>>) target_semaphore(%arg13 : memref<!tpu.dma_semaphore, #tpu.memory_space<semaphore_mem>>)
        %parallel_loop3A_307 = vector.extract_strided_slice %parallel_loop3A_126 {offsets = [7], sizes = [1], strides = [1]} : vector<16xi32> to vector<1xi32>
        %parallel_loop3A_308 = vector.extract %parallel_loop3A_307[0] : i32 from vector<1xi32>
        %parallel_loop3A_309 = arith.constant 7 : i32
        %parallel_loop3A_310 = arith.addi %parallel_loop3A_118, %parallel_loop3A_309 : i32
        %parallel_loop3A_311 = arith.constant 0 : i32
        %parallel_loop3A_312 = tpu.memref_slice %arg9[%parallel_loop3A_310, %parallel_loop3A_311] : memref<256x64xf32, #tpu.memory_space<vmem>> -> memref<1x64xf32, #tpu.memory_space<vmem>>
        %parallel_loop3A_313 = arith.constant 0 : i32
        %parallel_loop3A_314 = tpu.memref_slice %arg4[%parallel_loop3A_308, %parallel_loop3A_313] : memref<1000000x64xf32, #tpu.memory_space<hbm>> -> memref<1x64xf32, #tpu.memory_space<hbm>>
        %parallel_loop3A_315 = arith.constant 0 : i32
        %parallel_loop3A_316 = tpu.memref_slice %arg9[%parallel_loop3A_310, %parallel_loop3A_315] : memref<256x64xf32, #tpu.memory_space<vmem>> -> memref<1x64xf32, #tpu.memory_space<vmem>>
        %parallel_loop3A_317 = arith.constant 0 : i32
        %parallel_loop3A_318 = tpu.memref_slice %arg4[%parallel_loop3A_308, %parallel_loop3A_317] : memref<1000000x64xf32, #tpu.memory_space<hbm>> -> memref<1x64xf32, #tpu.memory_space<hbm>>
        tpu.enqueue_dma source(%parallel_loop3A_318 : memref<1x64xf32, #tpu.memory_space<hbm>>) target(%parallel_loop3A_316 : memref<1x64xf32, #tpu.memory_space<vmem>>) target_semaphore(%arg13 : memref<!tpu.dma_semaphore, #tpu.memory_space<semaphore_mem>>)
        %parallel_loop3A_319 = vector.extract_strided_slice %parallel_loop3A_122 {offsets = [8], sizes = [1], strides = [1]} : vector<16xi32> to vector<1xi32>
        %parallel_loop3A_320 = vector.extract %parallel_loop3A_319[0] : i32 from vector<1xi32>
        %parallel_loop3A_321 = arith.constant 8 : i32
        %parallel_loop3A_322 = arith.addi %parallel_loop3A_118, %parallel_loop3A_321 : i32
        %parallel_loop3A_323 = arith.constant 0 : i32
        %parallel_loop3A_324 = tpu.memref_slice %arg8[%parallel_loop3A_322, %parallel_loop3A_323] : memref<256x64xf32, #tpu.memory_space<vmem>> -> memref<1x64xf32, #tpu.memory_space<vmem>>
        %parallel_loop3A_325 = arith.constant 0 : i32
        %parallel_loop3A_326 = tpu.memref_slice %arg4[%parallel_loop3A_320, %parallel_loop3A_325] : memref<1000000x64xf32, #tpu.memory_space<hbm>> -> memref<1x64xf32, #tpu.memory_space<hbm>>
        %parallel_loop3A_327 = arith.constant 0 : i32
        %parallel_loop3A_328 = tpu.memref_slice %arg8[%parallel_loop3A_322, %parallel_loop3A_327] : memref<256x64xf32, #tpu.memory_space<vmem>> -> memref<1x64xf32, #tpu.memory_space<vmem>>
        %parallel_loop3A_329 = arith.constant 0 : i32
        %parallel_loop3A_330 = tpu.memref_slice %arg4[%parallel_loop3A_320, %parallel_loop3A_329] : memref<1000000x64xf32, #tpu.memory_space<hbm>> -> memref<1x64xf32, #tpu.memory_space<hbm>>
        tpu.enqueue_dma source(%parallel_loop3A_330 : memref<1x64xf32, #tpu.memory_space<hbm>>) target(%parallel_loop3A_328 : memref<1x64xf32, #tpu.memory_space<vmem>>) target_semaphore(%arg10 : memref<!tpu.dma_semaphore, #tpu.memory_space<semaphore_mem>>)
        %parallel_loop3A_331 = vector.extract_strided_slice %parallel_loop3A_126 {offsets = [8], sizes = [1], strides = [1]} : vector<16xi32> to vector<1xi32>
        %parallel_loop3A_332 = vector.extract %parallel_loop3A_331[0] : i32 from vector<1xi32>
        %parallel_loop3A_333 = arith.constant 8 : i32
        %parallel_loop3A_334 = arith.addi %parallel_loop3A_118, %parallel_loop3A_333 : i32
        %parallel_loop3A_335 = arith.constant 0 : i32
        %parallel_loop3A_336 = tpu.memref_slice %arg9[%parallel_loop3A_334, %parallel_loop3A_335] : memref<256x64xf32, #tpu.memory_space<vmem>> -> memref<1x64xf32, #tpu.memory_space<vmem>>
        %parallel_loop3A_337 = arith.constant 0 : i32
        %parallel_loop3A_338 = tpu.memref_slice %arg4[%parallel_loop3A_332, %parallel_loop3A_337] : memref<1000000x64xf32, #tpu.memory_space<hbm>> -> memref<1x64xf32, #tpu.memory_space<hbm>>
        %parallel_loop3A_339 = arith.constant 0 : i32
        %parallel_loop3A_340 = tpu.memref_slice %arg9[%parallel_loop3A_334, %parallel_loop3A_339] : memref<256x64xf32, #tpu.memory_space<vmem>> -> memref<1x64xf32, #tpu.memory_space<vmem>>
        %parallel_loop3A_341 = arith.constant 0 : i32
        %parallel_loop3A_342 = tpu.memref_slice %arg4[%parallel_loop3A_332, %parallel_loop3A_341] : memref<1000000x64xf32, #tpu.memory_space<hbm>> -> memref<1x64xf32, #tpu.memory_space<hbm>>
        tpu.enqueue_dma source(%parallel_loop3A_342 : memref<1x64xf32, #tpu.memory_space<hbm>>) target(%parallel_loop3A_340 : memref<1x64xf32, #tpu.memory_space<vmem>>) target_semaphore(%arg10 : memref<!tpu.dma_semaphore, #tpu.memory_space<semaphore_mem>>)
        %parallel_loop3A_343 = vector.extract_strided_slice %parallel_loop3A_122 {offsets = [9], sizes = [1], strides = [1]} : vector<16xi32> to vector<1xi32>
        %parallel_loop3A_344 = vector.extract %parallel_loop3A_343[0] : i32 from vector<1xi32>
        %parallel_loop3A_345 = arith.constant 9 : i32
        %parallel_loop3A_346 = arith.addi %parallel_loop3A_118, %parallel_loop3A_345 : i32
        %parallel_loop3A_347 = arith.constant 0 : i32
        %parallel_loop3A_348 = tpu.memref_slice %arg8[%parallel_loop3A_346, %parallel_loop3A_347] : memref<256x64xf32, #tpu.memory_space<vmem>> -> memref<1x64xf32, #tpu.memory_space<vmem>>
        %parallel_loop3A_349 = arith.constant 0 : i32
        %parallel_loop3A_350 = tpu.memref_slice %arg4[%parallel_loop3A_344, %parallel_loop3A_349] : memref<1000000x64xf32, #tpu.memory_space<hbm>> -> memref<1x64xf32, #tpu.memory_space<hbm>>
        %parallel_loop3A_351 = arith.constant 0 : i32
        %parallel_loop3A_352 = tpu.memref_slice %arg8[%parallel_loop3A_346, %parallel_loop3A_351] : memref<256x64xf32, #tpu.memory_space<vmem>> -> memref<1x64xf32, #tpu.memory_space<vmem>>
        %parallel_loop3A_353 = arith.constant 0 : i32
        %parallel_loop3A_354 = tpu.memref_slice %arg4[%parallel_loop3A_344, %parallel_loop3A_353] : memref<1000000x64xf32, #tpu.memory_space<hbm>> -> memref<1x64xf32, #tpu.memory_space<hbm>>
        tpu.enqueue_dma source(%parallel_loop3A_354 : memref<1x64xf32, #tpu.memory_space<hbm>>) target(%parallel_loop3A_352 : memref<1x64xf32, #tpu.memory_space<vmem>>) target_semaphore(%arg11 : memref<!tpu.dma_semaphore, #tpu.memory_space<semaphore_mem>>)
        %parallel_loop3A_355 = vector.extract_strided_slice %parallel_loop3A_126 {offsets = [9], sizes = [1], strides = [1]} : vector<16xi32> to vector<1xi32>
        %parallel_loop3A_356 = vector.extract %parallel_loop3A_355[0] : i32 from vector<1xi32>
        %parallel_loop3A_357 = arith.constant 9 : i32
        %parallel_loop3A_358 = arith.addi %parallel_loop3A_118, %parallel_loop3A_357 : i32
        %parallel_loop3A_359 = arith.constant 0 : i32
        %parallel_loop3A_360 = tpu.memref_slice %arg9[%parallel_loop3A_358, %parallel_loop3A_359] : memref<256x64xf32, #tpu.memory_space<vmem>> -> memref<1x64xf32, #tpu.memory_space<vmem>>
        %parallel_loop3A_361 = arith.constant 0 : i32
        %parallel_loop3A_362 = tpu.memref_slice %arg4[%parallel_loop3A_356, %parallel_loop3A_361] : memref<1000000x64xf32, #tpu.memory_space<hbm>> -> memref<1x64xf32, #tpu.memory_space<hbm>>
        %parallel_loop3A_363 = arith.constant 0 : i32
        %parallel_loop3A_364 = tpu.memref_slice %arg9[%parallel_loop3A_358, %parallel_loop3A_363] : memref<256x64xf32, #tpu.memory_space<vmem>> -> memref<1x64xf32, #tpu.memory_space<vmem>>
        %parallel_loop3A_365 = arith.constant 0 : i32
        %parallel_loop3A_366 = tpu.memref_slice %arg4[%parallel_loop3A_356, %parallel_loop3A_365] : memref<1000000x64xf32, #tpu.memory_space<hbm>> -> memref<1x64xf32, #tpu.memory_space<hbm>>
        tpu.enqueue_dma source(%parallel_loop3A_366 : memref<1x64xf32, #tpu.memory_space<hbm>>) target(%parallel_loop3A_364 : memref<1x64xf32, #tpu.memory_space<vmem>>) target_semaphore(%arg11 : memref<!tpu.dma_semaphore, #tpu.memory_space<semaphore_mem>>)
        %parallel_loop3A_367 = vector.extract_strided_slice %parallel_loop3A_122 {offsets = [10], sizes = [1], strides = [1]} : vector<16xi32> to vector<1xi32>
        %parallel_loop3A_368 = vector.extract %parallel_loop3A_367[0] : i32 from vector<1xi32>
        %parallel_loop3A_369 = arith.constant 10 : i32
        %parallel_loop3A_370 = arith.addi %parallel_loop3A_118, %parallel_loop3A_369 : i32
        %parallel_loop3A_371 = arith.constant 0 : i32
        %parallel_loop3A_372 = tpu.memref_slice %arg8[%parallel_loop3A_370, %parallel_loop3A_371] : memref<256x64xf32, #tpu.memory_space<vmem>> -> memref<1x64xf32, #tpu.memory_space<vmem>>
        %parallel_loop3A_373 = arith.constant 0 : i32
        %parallel_loop3A_374 = tpu.memref_slice %arg4[%parallel_loop3A_368, %parallel_loop3A_373] : memref<1000000x64xf32, #tpu.memory_space<hbm>> -> memref<1x64xf32, #tpu.memory_space<hbm>>
        %parallel_loop3A_375 = arith.constant 0 : i32
        %parallel_loop3A_376 = tpu.memref_slice %arg8[%parallel_loop3A_370, %parallel_loop3A_375] : memref<256x64xf32, #tpu.memory_space<vmem>> -> memref<1x64xf32, #tpu.memory_space<vmem>>
        %parallel_loop3A_377 = arith.constant 0 : i32
        %parallel_loop3A_378 = tpu.memref_slice %arg4[%parallel_loop3A_368, %parallel_loop3A_377] : memref<1000000x64xf32, #tpu.memory_space<hbm>> -> memref<1x64xf32, #tpu.memory_space<hbm>>
        tpu.enqueue_dma source(%parallel_loop3A_378 : memref<1x64xf32, #tpu.memory_space<hbm>>) target(%parallel_loop3A_376 : memref<1x64xf32, #tpu.memory_space<vmem>>) target_semaphore(%arg12 : memref<!tpu.dma_semaphore, #tpu.memory_space<semaphore_mem>>)
        %parallel_loop3A_379 = vector.extract_strided_slice %parallel_loop3A_126 {offsets = [10], sizes = [1], strides = [1]} : vector<16xi32> to vector<1xi32>
        %parallel_loop3A_380 = vector.extract %parallel_loop3A_379[0] : i32 from vector<1xi32>
        %parallel_loop3A_381 = arith.constant 10 : i32
        %parallel_loop3A_382 = arith.addi %parallel_loop3A_118, %parallel_loop3A_381 : i32
        %parallel_loop3A_383 = arith.constant 0 : i32
        %parallel_loop3A_384 = tpu.memref_slice %arg9[%parallel_loop3A_382, %parallel_loop3A_383] : memref<256x64xf32, #tpu.memory_space<vmem>> -> memref<1x64xf32, #tpu.memory_space<vmem>>
        %parallel_loop3A_385 = arith.constant 0 : i32
        %parallel_loop3A_386 = tpu.memref_slice %arg4[%parallel_loop3A_380, %parallel_loop3A_385] : memref<1000000x64xf32, #tpu.memory_space<hbm>> -> memref<1x64xf32, #tpu.memory_space<hbm>>
        %parallel_loop3A_387 = arith.constant 0 : i32
        %parallel_loop3A_388 = tpu.memref_slice %arg9[%parallel_loop3A_382, %parallel_loop3A_387] : memref<256x64xf32, #tpu.memory_space<vmem>> -> memref<1x64xf32, #tpu.memory_space<vmem>>
        %parallel_loop3A_389 = arith.constant 0 : i32
        %parallel_loop3A_390 = tpu.memref_slice %arg4[%parallel_loop3A_380, %parallel_loop3A_389] : memref<1000000x64xf32, #tpu.memory_space<hbm>> -> memref<1x64xf32, #tpu.memory_space<hbm>>
        tpu.enqueue_dma source(%parallel_loop3A_390 : memref<1x64xf32, #tpu.memory_space<hbm>>) target(%parallel_loop3A_388 : memref<1x64xf32, #tpu.memory_space<vmem>>) target_semaphore(%arg12 : memref<!tpu.dma_semaphore, #tpu.memory_space<semaphore_mem>>)
        %parallel_loop3A_391 = vector.extract_strided_slice %parallel_loop3A_122 {offsets = [11], sizes = [1], strides = [1]} : vector<16xi32> to vector<1xi32>
        %parallel_loop3A_392 = vector.extract %parallel_loop3A_391[0] : i32 from vector<1xi32>
        %parallel_loop3A_393 = arith.constant 11 : i32
        %parallel_loop3A_394 = arith.addi %parallel_loop3A_118, %parallel_loop3A_393 : i32
        %parallel_loop3A_395 = arith.constant 0 : i32
        %parallel_loop3A_396 = tpu.memref_slice %arg8[%parallel_loop3A_394, %parallel_loop3A_395] : memref<256x64xf32, #tpu.memory_space<vmem>> -> memref<1x64xf32, #tpu.memory_space<vmem>>
        %parallel_loop3A_397 = arith.constant 0 : i32
        %parallel_loop3A_398 = tpu.memref_slice %arg4[%parallel_loop3A_392, %parallel_loop3A_397] : memref<1000000x64xf32, #tpu.memory_space<hbm>> -> memref<1x64xf32, #tpu.memory_space<hbm>>
        %parallel_loop3A_399 = arith.constant 0 : i32
        %parallel_loop3A_400 = tpu.memref_slice %arg8[%parallel_loop3A_394, %parallel_loop3A_399] : memref<256x64xf32, #tpu.memory_space<vmem>> -> memref<1x64xf32, #tpu.memory_space<vmem>>
        %parallel_loop3A_401 = arith.constant 0 : i32
        %parallel_loop3A_402 = tpu.memref_slice %arg4[%parallel_loop3A_392, %parallel_loop3A_401] : memref<1000000x64xf32, #tpu.memory_space<hbm>> -> memref<1x64xf32, #tpu.memory_space<hbm>>
        tpu.enqueue_dma source(%parallel_loop3A_402 : memref<1x64xf32, #tpu.memory_space<hbm>>) target(%parallel_loop3A_400 : memref<1x64xf32, #tpu.memory_space<vmem>>) target_semaphore(%arg13 : memref<!tpu.dma_semaphore, #tpu.memory_space<semaphore_mem>>)
        %parallel_loop3A_403 = vector.extract_strided_slice %parallel_loop3A_126 {offsets = [11], sizes = [1], strides = [1]} : vector<16xi32> to vector<1xi32>
        %parallel_loop3A_404 = vector.extract %parallel_loop3A_403[0] : i32 from vector<1xi32>
        %parallel_loop3A_405 = arith.constant 11 : i32
        %parallel_loop3A_406 = arith.addi %parallel_loop3A_118, %parallel_loop3A_405 : i32
        %parallel_loop3A_407 = arith.constant 0 : i32
        %parallel_loop3A_408 = tpu.memref_slice %arg9[%parallel_loop3A_406, %parallel_loop3A_407] : memref<256x64xf32, #tpu.memory_space<vmem>> -> memref<1x64xf32, #tpu.memory_space<vmem>>
        %parallel_loop3A_409 = arith.constant 0 : i32
        %parallel_loop3A_410 = tpu.memref_slice %arg4[%parallel_loop3A_404, %parallel_loop3A_409] : memref<1000000x64xf32, #tpu.memory_space<hbm>> -> memref<1x64xf32, #tpu.memory_space<hbm>>
        %parallel_loop3A_411 = arith.constant 0 : i32
        %parallel_loop3A_412 = tpu.memref_slice %arg9[%parallel_loop3A_406, %parallel_loop3A_411] : memref<256x64xf32, #tpu.memory_space<vmem>> -> memref<1x64xf32, #tpu.memory_space<vmem>>
        %parallel_loop3A_413 = arith.constant 0 : i32
        %parallel_loop3A_414 = tpu.memref_slice %arg4[%parallel_loop3A_404, %parallel_loop3A_413] : memref<1000000x64xf32, #tpu.memory_space<hbm>> -> memref<1x64xf32, #tpu.memory_space<hbm>>
        tpu.enqueue_dma source(%parallel_loop3A_414 : memref<1x64xf32, #tpu.memory_space<hbm>>) target(%parallel_loop3A_412 : memref<1x64xf32, #tpu.memory_space<vmem>>) target_semaphore(%arg13 : memref<!tpu.dma_semaphore, #tpu.memory_space<semaphore_mem>>)
        %parallel_loop3A_415 = vector.extract_strided_slice %parallel_loop3A_122 {offsets = [12], sizes = [1], strides = [1]} : vector<16xi32> to vector<1xi32>
        %parallel_loop3A_416 = vector.extract %parallel_loop3A_415[0] : i32 from vector<1xi32>
        %parallel_loop3A_417 = arith.constant 12 : i32
        %parallel_loop3A_418 = arith.addi %parallel_loop3A_118, %parallel_loop3A_417 : i32
        %parallel_loop3A_419 = arith.constant 0 : i32
        %parallel_loop3A_420 = tpu.memref_slice %arg8[%parallel_loop3A_418, %parallel_loop3A_419] : memref<256x64xf32, #tpu.memory_space<vmem>> -> memref<1x64xf32, #tpu.memory_space<vmem>>
        %parallel_loop3A_421 = arith.constant 0 : i32
        %parallel_loop3A_422 = tpu.memref_slice %arg4[%parallel_loop3A_416, %parallel_loop3A_421] : memref<1000000x64xf32, #tpu.memory_space<hbm>> -> memref<1x64xf32, #tpu.memory_space<hbm>>
        %parallel_loop3A_423 = arith.constant 0 : i32
        %parallel_loop3A_424 = tpu.memref_slice %arg8[%parallel_loop3A_418, %parallel_loop3A_423] : memref<256x64xf32, #tpu.memory_space<vmem>> -> memref<1x64xf32, #tpu.memory_space<vmem>>
        %parallel_loop3A_425 = arith.constant 0 : i32
        %parallel_loop3A_426 = tpu.memref_slice %arg4[%parallel_loop3A_416, %parallel_loop3A_425] : memref<1000000x64xf32, #tpu.memory_space<hbm>> -> memref<1x64xf32, #tpu.memory_space<hbm>>
        tpu.enqueue_dma source(%parallel_loop3A_426 : memref<1x64xf32, #tpu.memory_space<hbm>>) target(%parallel_loop3A_424 : memref<1x64xf32, #tpu.memory_space<vmem>>) target_semaphore(%arg10 : memref<!tpu.dma_semaphore, #tpu.memory_space<semaphore_mem>>)
        %parallel_loop3A_427 = vector.extract_strided_slice %parallel_loop3A_126 {offsets = [12], sizes = [1], strides = [1]} : vector<16xi32> to vector<1xi32>
        %parallel_loop3A_428 = vector.extract %parallel_loop3A_427[0] : i32 from vector<1xi32>
        %parallel_loop3A_429 = arith.constant 12 : i32
        %parallel_loop3A_430 = arith.addi %parallel_loop3A_118, %parallel_loop3A_429 : i32
        %parallel_loop3A_431 = arith.constant 0 : i32
        %parallel_loop3A_432 = tpu.memref_slice %arg9[%parallel_loop3A_430, %parallel_loop3A_431] : memref<256x64xf32, #tpu.memory_space<vmem>> -> memref<1x64xf32, #tpu.memory_space<vmem>>
        %parallel_loop3A_433 = arith.constant 0 : i32
        %parallel_loop3A_434 = tpu.memref_slice %arg4[%parallel_loop3A_428, %parallel_loop3A_433] : memref<1000000x64xf32, #tpu.memory_space<hbm>> -> memref<1x64xf32, #tpu.memory_space<hbm>>
        %parallel_loop3A_435 = arith.constant 0 : i32
        %parallel_loop3A_436 = tpu.memref_slice %arg9[%parallel_loop3A_430, %parallel_loop3A_435] : memref<256x64xf32, #tpu.memory_space<vmem>> -> memref<1x64xf32, #tpu.memory_space<vmem>>
        %parallel_loop3A_437 = arith.constant 0 : i32
        %parallel_loop3A_438 = tpu.memref_slice %arg4[%parallel_loop3A_428, %parallel_loop3A_437] : memref<1000000x64xf32, #tpu.memory_space<hbm>> -> memref<1x64xf32, #tpu.memory_space<hbm>>
        tpu.enqueue_dma source(%parallel_loop3A_438 : memref<1x64xf32, #tpu.memory_space<hbm>>) target(%parallel_loop3A_436 : memref<1x64xf32, #tpu.memory_space<vmem>>) target_semaphore(%arg10 : memref<!tpu.dma_semaphore, #tpu.memory_space<semaphore_mem>>)
        %parallel_loop3A_439 = vector.extract_strided_slice %parallel_loop3A_122 {offsets = [13], sizes = [1], strides = [1]} : vector<16xi32> to vector<1xi32>
        %parallel_loop3A_440 = vector.extract %parallel_loop3A_439[0] : i32 from vector<1xi32>
        %parallel_loop3A_441 = arith.constant 13 : i32
        %parallel_loop3A_442 = arith.addi %parallel_loop3A_118, %parallel_loop3A_441 : i32
        %parallel_loop3A_443 = arith.constant 0 : i32
        %parallel_loop3A_444 = tpu.memref_slice %arg8[%parallel_loop3A_442, %parallel_loop3A_443] : memref<256x64xf32, #tpu.memory_space<vmem>> -> memref<1x64xf32, #tpu.memory_space<vmem>>
        %parallel_loop3A_445 = arith.constant 0 : i32
        %parallel_loop3A_446 = tpu.memref_slice %arg4[%parallel_loop3A_440, %parallel_loop3A_445] : memref<1000000x64xf32, #tpu.memory_space<hbm>> -> memref<1x64xf32, #tpu.memory_space<hbm>>
        %parallel_loop3A_447 = arith.constant 0 : i32
        %parallel_loop3A_448 = tpu.memref_slice %arg8[%parallel_loop3A_442, %parallel_loop3A_447] : memref<256x64xf32, #tpu.memory_space<vmem>> -> memref<1x64xf32, #tpu.memory_space<vmem>>
        %parallel_loop3A_449 = arith.constant 0 : i32
        %parallel_loop3A_450 = tpu.memref_slice %arg4[%parallel_loop3A_440, %parallel_loop3A_449] : memref<1000000x64xf32, #tpu.memory_space<hbm>> -> memref<1x64xf32, #tpu.memory_space<hbm>>
        tpu.enqueue_dma source(%parallel_loop3A_450 : memref<1x64xf32, #tpu.memory_space<hbm>>) target(%parallel_loop3A_448 : memref<1x64xf32, #tpu.memory_space<vmem>>) target_semaphore(%arg11 : memref<!tpu.dma_semaphore, #tpu.memory_space<semaphore_mem>>)
        %parallel_loop3A_451 = vector.extract_strided_slice %parallel_loop3A_126 {offsets = [13], sizes = [1], strides = [1]} : vector<16xi32> to vector<1xi32>
        %parallel_loop3A_452 = vector.extract %parallel_loop3A_451[0] : i32 from vector<1xi32>
        %parallel_loop3A_453 = arith.constant 13 : i32
        %parallel_loop3A_454 = arith.addi %parallel_loop3A_118, %parallel_loop3A_453 : i32
        %parallel_loop3A_455 = arith.constant 0 : i32
        %parallel_loop3A_456 = tpu.memref_slice %arg9[%parallel_loop3A_454, %parallel_loop3A_455] : memref<256x64xf32, #tpu.memory_space<vmem>> -> memref<1x64xf32, #tpu.memory_space<vmem>>
        %parallel_loop3A_457 = arith.constant 0 : i32
        %parallel_loop3A_458 = tpu.memref_slice %arg4[%parallel_loop3A_452, %parallel_loop3A_457] : memref<1000000x64xf32, #tpu.memory_space<hbm>> -> memref<1x64xf32, #tpu.memory_space<hbm>>
        %parallel_loop3A_459 = arith.constant 0 : i32
        %parallel_loop3A_460 = tpu.memref_slice %arg9[%parallel_loop3A_454, %parallel_loop3A_459] : memref<256x64xf32, #tpu.memory_space<vmem>> -> memref<1x64xf32, #tpu.memory_space<vmem>>
        %parallel_loop3A_461 = arith.constant 0 : i32
        %parallel_loop3A_462 = tpu.memref_slice %arg4[%parallel_loop3A_452, %parallel_loop3A_461] : memref<1000000x64xf32, #tpu.memory_space<hbm>> -> memref<1x64xf32, #tpu.memory_space<hbm>>
        tpu.enqueue_dma source(%parallel_loop3A_462 : memref<1x64xf32, #tpu.memory_space<hbm>>) target(%parallel_loop3A_460 : memref<1x64xf32, #tpu.memory_space<vmem>>) target_semaphore(%arg11 : memref<!tpu.dma_semaphore, #tpu.memory_space<semaphore_mem>>)
        %parallel_loop3A_463 = vector.extract_strided_slice %parallel_loop3A_122 {offsets = [14], sizes = [1], strides = [1]} : vector<16xi32> to vector<1xi32>
        %parallel_loop3A_464 = vector.extract %parallel_loop3A_463[0] : i32 from vector<1xi32>
        %parallel_loop3A_465 = arith.constant 14 : i32
        %parallel_loop3A_466 = arith.addi %parallel_loop3A_118, %parallel_loop3A_465 : i32
        %parallel_loop3A_467 = arith.constant 0 : i32
        %parallel_loop3A_468 = tpu.memref_slice %arg8[%parallel_loop3A_466, %parallel_loop3A_467] : memref<256x64xf32, #tpu.memory_space<vmem>> -> memref<1x64xf32, #tpu.memory_space<vmem>>
        %parallel_loop3A_469 = arith.constant 0 : i32
        %parallel_loop3A_470 = tpu.memref_slice %arg4[%parallel_loop3A_464, %parallel_loop3A_469] : memref<1000000x64xf32, #tpu.memory_space<hbm>> -> memref<1x64xf32, #tpu.memory_space<hbm>>
        %parallel_loop3A_471 = arith.constant 0 : i32
        %parallel_loop3A_472 = tpu.memref_slice %arg8[%parallel_loop3A_466, %parallel_loop3A_471] : memref<256x64xf32, #tpu.memory_space<vmem>> -> memref<1x64xf32, #tpu.memory_space<vmem>>
        %parallel_loop3A_473 = arith.constant 0 : i32
        %parallel_loop3A_474 = tpu.memref_slice %arg4[%parallel_loop3A_464, %parallel_loop3A_473] : memref<1000000x64xf32, #tpu.memory_space<hbm>> -> memref<1x64xf32, #tpu.memory_space<hbm>>
        tpu.enqueue_dma source(%parallel_loop3A_474 : memref<1x64xf32, #tpu.memory_space<hbm>>) target(%parallel_loop3A_472 : memref<1x64xf32, #tpu.memory_space<vmem>>) target_semaphore(%arg12 : memref<!tpu.dma_semaphore, #tpu.memory_space<semaphore_mem>>)
        %parallel_loop3A_475 = vector.extract_strided_slice %parallel_loop3A_126 {offsets = [14], sizes = [1], strides = [1]} : vector<16xi32> to vector<1xi32>
        %parallel_loop3A_476 = vector.extract %parallel_loop3A_475[0] : i32 from vector<1xi32>
        %parallel_loop3A_477 = arith.constant 14 : i32
        %parallel_loop3A_478 = arith.addi %parallel_loop3A_118, %parallel_loop3A_477 : i32
        %parallel_loop3A_479 = arith.constant 0 : i32
        %parallel_loop3A_480 = tpu.memref_slice %arg9[%parallel_loop3A_478, %parallel_loop3A_479] : memref<256x64xf32, #tpu.memory_space<vmem>> -> memref<1x64xf32, #tpu.memory_space<vmem>>
        %parallel_loop3A_481 = arith.constant 0 : i32
        %parallel_loop3A_482 = tpu.memref_slice %arg4[%parallel_loop3A_476, %parallel_loop3A_481] : memref<1000000x64xf32, #tpu.memory_space<hbm>> -> memref<1x64xf32, #tpu.memory_space<hbm>>
        %parallel_loop3A_483 = arith.constant 0 : i32
        %parallel_loop3A_484 = tpu.memref_slice %arg9[%parallel_loop3A_478, %parallel_loop3A_483] : memref<256x64xf32, #tpu.memory_space<vmem>> -> memref<1x64xf32, #tpu.memory_space<vmem>>
        %parallel_loop3A_485 = arith.constant 0 : i32
        %parallel_loop3A_486 = tpu.memref_slice %arg4[%parallel_loop3A_476, %parallel_loop3A_485] : memref<1000000x64xf32, #tpu.memory_space<hbm>> -> memref<1x64xf32, #tpu.memory_space<hbm>>
        tpu.enqueue_dma source(%parallel_loop3A_486 : memref<1x64xf32, #tpu.memory_space<hbm>>) target(%parallel_loop3A_484 : memref<1x64xf32, #tpu.memory_space<vmem>>) target_semaphore(%arg12 : memref<!tpu.dma_semaphore, #tpu.memory_space<semaphore_mem>>)
        %parallel_loop3A_487 = vector.extract_strided_slice %parallel_loop3A_122 {offsets = [15], sizes = [1], strides = [1]} : vector<16xi32> to vector<1xi32>
        %parallel_loop3A_488 = vector.extract %parallel_loop3A_487[0] : i32 from vector<1xi32>
        %parallel_loop3A_489 = arith.constant 15 : i32
        %parallel_loop3A_490 = arith.addi %parallel_loop3A_118, %parallel_loop3A_489 : i32
        %parallel_loop3A_491 = arith.constant 0 : i32
        %parallel_loop3A_492 = tpu.memref_slice %arg8[%parallel_loop3A_490, %parallel_loop3A_491] : memref<256x64xf32, #tpu.memory_space<vmem>> -> memref<1x64xf32, #tpu.memory_space<vmem>>
        %parallel_loop3A_493 = arith.constant 0 : i32
        %parallel_loop3A_494 = tpu.memref_slice %arg4[%parallel_loop3A_488, %parallel_loop3A_493] : memref<1000000x64xf32, #tpu.memory_space<hbm>> -> memref<1x64xf32, #tpu.memory_space<hbm>>
        %parallel_loop3A_495 = arith.constant 0 : i32
        %parallel_loop3A_496 = tpu.memref_slice %arg8[%parallel_loop3A_490, %parallel_loop3A_495] : memref<256x64xf32, #tpu.memory_space<vmem>> -> memref<1x64xf32, #tpu.memory_space<vmem>>
        %parallel_loop3A_497 = arith.constant 0 : i32
        %parallel_loop3A_498 = tpu.memref_slice %arg4[%parallel_loop3A_488, %parallel_loop3A_497] : memref<1000000x64xf32, #tpu.memory_space<hbm>> -> memref<1x64xf32, #tpu.memory_space<hbm>>
        tpu.enqueue_dma source(%parallel_loop3A_498 : memref<1x64xf32, #tpu.memory_space<hbm>>) target(%parallel_loop3A_496 : memref<1x64xf32, #tpu.memory_space<vmem>>) target_semaphore(%arg13 : memref<!tpu.dma_semaphore, #tpu.memory_space<semaphore_mem>>)
        %parallel_loop3A_499 = vector.extract_strided_slice %parallel_loop3A_126 {offsets = [15], sizes = [1], strides = [1]} : vector<16xi32> to vector<1xi32>
        %parallel_loop3A_500 = vector.extract %parallel_loop3A_499[0] : i32 from vector<1xi32>
        %parallel_loop3A_501 = arith.constant 15 : i32
        %parallel_loop3A_502 = arith.addi %parallel_loop3A_118, %parallel_loop3A_501 : i32
        %parallel_loop3A_503 = arith.constant 0 : i32
        %parallel_loop3A_504 = tpu.memref_slice %arg9[%parallel_loop3A_502, %parallel_loop3A_503] : memref<256x64xf32, #tpu.memory_space<vmem>> -> memref<1x64xf32, #tpu.memory_space<vmem>>
        %parallel_loop3A_505 = arith.constant 0 : i32
        %parallel_loop3A_506 = tpu.memref_slice %arg4[%parallel_loop3A_500, %parallel_loop3A_505] : memref<1000000x64xf32, #tpu.memory_space<hbm>> -> memref<1x64xf32, #tpu.memory_space<hbm>>
        %parallel_loop3A_507 = arith.constant 0 : i32
        %parallel_loop3A_508 = tpu.memref_slice %arg9[%parallel_loop3A_502, %parallel_loop3A_507] : memref<256x64xf32, #tpu.memory_space<vmem>> -> memref<1x64xf32, #tpu.memory_space<vmem>>
        %parallel_loop3A_509 = arith.constant 0 : i32
        %parallel_loop3A_510 = tpu.memref_slice %arg4[%parallel_loop3A_500, %parallel_loop3A_509] : memref<1000000x64xf32, #tpu.memory_space<hbm>> -> memref<1x64xf32, #tpu.memory_space<hbm>>
        tpu.enqueue_dma source(%parallel_loop3A_510 : memref<1x64xf32, #tpu.memory_space<hbm>>) target(%parallel_loop3A_508 : memref<1x64xf32, #tpu.memory_space<vmem>>) target_semaphore(%arg13 : memref<!tpu.dma_semaphore, #tpu.memory_space<semaphore_mem>>)
      } {sc.loop_unroll_factor = 2 : i64, sc.parallel_access}
      %dma_wait3A = arith.constant 0 : i32
      %dma_wait3A_13 = arith.constant 0 : i32
      %dma_wait3A_14 = tpu.memref_slice %arg8[%dma_wait3A, %dma_wait3A_13] : memref<256x64xf32, #tpu.memory_space<vmem>> -> memref<64x64xf32, #tpu.memory_space<vmem>>
      %dma_wait3A_15 = arith.constant 0 : i32
      %dma_wait3A_16 = arith.constant 0 : i32
      %dma_wait3A_17 = tpu.memref_slice %arg4[%dma_wait3A_15, %dma_wait3A_16] : memref<1000000x64xf32, #tpu.memory_space<hbm>> -> memref<64x64xf32, #tpu.memory_space<hbm>>
      %dma_wait3A_18 = arith.constant 0 : i32
      %dma_wait3A_19 = arith.constant 0 : i32
      %dma_wait3A_20 = tpu.memref_slice %arg8[%dma_wait3A_18, %dma_wait3A_19] : memref<256x64xf32, #tpu.memory_space<vmem>> -> memref<64x64xf32, #tpu.memory_space<vmem>>
      %dma_wait3A_21 = arith.constant 0 : i32
      %dma_wait3A_22 = arith.constant 0 : i32
      %dma_wait3A_23 = tpu.memref_slice %arg4[%dma_wait3A_21, %dma_wait3A_22] : memref<1000000x64xf32, #tpu.memory_space<hbm>> -> memref<64x64xf32, #tpu.memory_space<hbm>>
      tpu.wait_dma2 semaphore(%arg10 : memref<!tpu.dma_semaphore, #tpu.memory_space<semaphore_mem>>) src(%dma_wait3A_23 : memref<64x64xf32, #tpu.memory_space<hbm>>) dst(%dma_wait3A_20 : memref<64x64xf32, #tpu.memory_space<vmem>>)
      %dma_wait3A_24 = arith.constant 0 : i32
      %dma_wait3A_25 = arith.constant 0 : i32
      %dma_wait3A_26 = tpu.memref_slice %arg9[%dma_wait3A_24, %dma_wait3A_25] : memref<256x64xf32, #tpu.memory_space<vmem>> -> memref<64x64xf32, #tpu.memory_space<vmem>>
      %dma_wait3A_27 = arith.constant 0 : i32
      %dma_wait3A_28 = arith.constant 0 : i32
      %dma_wait3A_29 = tpu.memref_slice %arg4[%dma_wait3A_27, %dma_wait3A_28] : memref<1000000x64xf32, #tpu.memory_space<hbm>> -> memref<64x64xf32, #tpu.memory_space<hbm>>
      %dma_wait3A_30 = arith.constant 0 : i32
      %dma_wait3A_31 = arith.constant 0 : i32
      %dma_wait3A_32 = tpu.memref_slice %arg9[%dma_wait3A_30, %dma_wait3A_31] : memref<256x64xf32, #tpu.memory_space<vmem>> -> memref<64x64xf32, #tpu.memory_space<vmem>>
      %dma_wait3A_33 = arith.constant 0 : i32
      %dma_wait3A_34 = arith.constant 0 : i32
      %dma_wait3A_35 = tpu.memref_slice %arg4[%dma_wait3A_33, %dma_wait3A_34] : memref<1000000x64xf32, #tpu.memory_space<hbm>> -> memref<64x64xf32, #tpu.memory_space<hbm>>
      tpu.wait_dma2 semaphore(%arg10 : memref<!tpu.dma_semaphore, #tpu.memory_space<semaphore_mem>>) src(%dma_wait3A_35 : memref<64x64xf32, #tpu.memory_space<hbm>>) dst(%dma_wait3A_32 : memref<64x64xf32, #tpu.memory_space<vmem>>)
      %dma_wait3A_36 = arith.constant 64 : i32
      %dma_wait3A_37 = arith.constant 0 : i32
      %dma_wait3A_38 = tpu.memref_slice %arg8[%dma_wait3A_36, %dma_wait3A_37] : memref<256x64xf32, #tpu.memory_space<vmem>> -> memref<64x64xf32, #tpu.memory_space<vmem>>
      %dma_wait3A_39 = arith.constant 0 : i32
      %dma_wait3A_40 = arith.constant 0 : i32
      %dma_wait3A_41 = tpu.memref_slice %arg4[%dma_wait3A_39, %dma_wait3A_40] : memref<1000000x64xf32, #tpu.memory_space<hbm>> -> memref<64x64xf32, #tpu.memory_space<hbm>>
      %dma_wait3A_42 = arith.constant 64 : i32
      %dma_wait3A_43 = arith.constant 0 : i32
      %dma_wait3A_44 = tpu.memref_slice %arg8[%dma_wait3A_42, %dma_wait3A_43] : memref<256x64xf32, #tpu.memory_space<vmem>> -> memref<64x64xf32, #tpu.memory_space<vmem>>
      %dma_wait3A_45 = arith.constant 0 : i32
      %dma_wait3A_46 = arith.constant 0 : i32
      %dma_wait3A_47 = tpu.memref_slice %arg4[%dma_wait3A_45, %dma_wait3A_46] : memref<1000000x64xf32, #tpu.memory_space<hbm>> -> memref<64x64xf32, #tpu.memory_space<hbm>>
      tpu.wait_dma2 semaphore(%arg11 : memref<!tpu.dma_semaphore, #tpu.memory_space<semaphore_mem>>) src(%dma_wait3A_47 : memref<64x64xf32, #tpu.memory_space<hbm>>) dst(%dma_wait3A_44 : memref<64x64xf32, #tpu.memory_space<vmem>>)
      %dma_wait3A_48 = arith.constant 64 : i32
      %dma_wait3A_49 = arith.constant 0 : i32
      %dma_wait3A_50 = tpu.memref_slice %arg9[%dma_wait3A_48, %dma_wait3A_49] : memref<256x64xf32, #tpu.memory_space<vmem>> -> memref<64x64xf32, #tpu.memory_space<vmem>>
      %dma_wait3A_51 = arith.constant 0 : i32
      %dma_wait3A_52 = arith.constant 0 : i32
      %dma_wait3A_53 = tpu.memref_slice %arg4[%dma_wait3A_51, %dma_wait3A_52] : memref<1000000x64xf32, #tpu.memory_space<hbm>> -> memref<64x64xf32, #tpu.memory_space<hbm>>
      %dma_wait3A_54 = arith.constant 64 : i32
      %dma_wait3A_55 = arith.constant 0 : i32
      %dma_wait3A_56 = tpu.memref_slice %arg9[%dma_wait3A_54, %dma_wait3A_55] : memref<256x64xf32, #tpu.memory_space<vmem>> -> memref<64x64xf32, #tpu.memory_space<vmem>>
      %dma_wait3A_57 = arith.constant 0 : i32
      %dma_wait3A_58 = arith.constant 0 : i32
      %dma_wait3A_59 = tpu.memref_slice %arg4[%dma_wait3A_57, %dma_wait3A_58] : memref<1000000x64xf32, #tpu.memory_space<hbm>> -> memref<64x64xf32, #tpu.memory_space<hbm>>
      tpu.wait_dma2 semaphore(%arg11 : memref<!tpu.dma_semaphore, #tpu.memory_space<semaphore_mem>>) src(%dma_wait3A_59 : memref<64x64xf32, #tpu.memory_space<hbm>>) dst(%dma_wait3A_56 : memref<64x64xf32, #tpu.memory_space<vmem>>)
      %dma_wait3A_60 = arith.constant 128 : i32
      %dma_wait3A_61 = arith.constant 0 : i32
      %dma_wait3A_62 = tpu.memref_slice %arg8[%dma_wait3A_60, %dma_wait3A_61] : memref<256x64xf32, #tpu.memory_space<vmem>> -> memref<64x64xf32, #tpu.memory_space<vmem>>
      %dma_wait3A_63 = arith.constant 0 : i32
      %dma_wait3A_64 = arith.constant 0 : i32
      %dma_wait3A_65 = tpu.memref_slice %arg4[%dma_wait3A_63, %dma_wait3A_64] : memref<1000000x64xf32, #tpu.memory_space<hbm>> -> memref<64x64xf32, #tpu.memory_space<hbm>>
      %dma_wait3A_66 = arith.constant 128 : i32
      %dma_wait3A_67 = arith.constant 0 : i32
      %dma_wait3A_68 = tpu.memref_slice %arg8[%dma_wait3A_66, %dma_wait3A_67] : memref<256x64xf32, #tpu.memory_space<vmem>> -> memref<64x64xf32, #tpu.memory_space<vmem>>
      %dma_wait3A_69 = arith.constant 0 : i32
      %dma_wait3A_70 = arith.constant 0 : i32
      %dma_wait3A_71 = tpu.memref_slice %arg4[%dma_wait3A_69, %dma_wait3A_70] : memref<1000000x64xf32, #tpu.memory_space<hbm>> -> memref<64x64xf32, #tpu.memory_space<hbm>>
      tpu.wait_dma2 semaphore(%arg12 : memref<!tpu.dma_semaphore, #tpu.memory_space<semaphore_mem>>) src(%dma_wait3A_71 : memref<64x64xf32, #tpu.memory_space<hbm>>) dst(%dma_wait3A_68 : memref<64x64xf32, #tpu.memory_space<vmem>>)
      %dma_wait3A_72 = arith.constant 128 : i32
      %dma_wait3A_73 = arith.constant 0 : i32
      %dma_wait3A_74 = tpu.memref_slice %arg9[%dma_wait3A_72, %dma_wait3A_73] : memref<256x64xf32, #tpu.memory_space<vmem>> -> memref<64x64xf32, #tpu.memory_space<vmem>>
      %dma_wait3A_75 = arith.constant 0 : i32
      %dma_wait3A_76 = arith.constant 0 : i32
      %dma_wait3A_77 = tpu.memref_slice %arg4[%dma_wait3A_75, %dma_wait3A_76] : memref<1000000x64xf32, #tpu.memory_space<hbm>> -> memref<64x64xf32, #tpu.memory_space<hbm>>
      %dma_wait3A_78 = arith.constant 128 : i32
      %dma_wait3A_79 = arith.constant 0 : i32
      %dma_wait3A_80 = tpu.memref_slice %arg9[%dma_wait3A_78, %dma_wait3A_79] : memref<256x64xf32, #tpu.memory_space<vmem>> -> memref<64x64xf32, #tpu.memory_space<vmem>>
      %dma_wait3A_81 = arith.constant 0 : i32
      %dma_wait3A_82 = arith.constant 0 : i32
      %dma_wait3A_83 = tpu.memref_slice %arg4[%dma_wait3A_81, %dma_wait3A_82] : memref<1000000x64xf32, #tpu.memory_space<hbm>> -> memref<64x64xf32, #tpu.memory_space<hbm>>
      tpu.wait_dma2 semaphore(%arg12 : memref<!tpu.dma_semaphore, #tpu.memory_space<semaphore_mem>>) src(%dma_wait3A_83 : memref<64x64xf32, #tpu.memory_space<hbm>>) dst(%dma_wait3A_80 : memref<64x64xf32, #tpu.memory_space<vmem>>)
      %dma_wait3A_84 = arith.constant 192 : i32
      %dma_wait3A_85 = arith.constant 0 : i32
      %dma_wait3A_86 = tpu.memref_slice %arg8[%dma_wait3A_84, %dma_wait3A_85] : memref<256x64xf32, #tpu.memory_space<vmem>> -> memref<64x64xf32, #tpu.memory_space<vmem>>
      %dma_wait3A_87 = arith.constant 0 : i32
      %dma_wait3A_88 = arith.constant 0 : i32
      %dma_wait3A_89 = tpu.memref_slice %arg4[%dma_wait3A_87, %dma_wait3A_88] : memref<1000000x64xf32, #tpu.memory_space<hbm>> -> memref<64x64xf32, #tpu.memory_space<hbm>>
      %dma_wait3A_90 = arith.constant 192 : i32
      %dma_wait3A_91 = arith.constant 0 : i32
      %dma_wait3A_92 = tpu.memref_slice %arg8[%dma_wait3A_90, %dma_wait3A_91] : memref<256x64xf32, #tpu.memory_space<vmem>> -> memref<64x64xf32, #tpu.memory_space<vmem>>
      %dma_wait3A_93 = arith.constant 0 : i32
      %dma_wait3A_94 = arith.constant 0 : i32
      %dma_wait3A_95 = tpu.memref_slice %arg4[%dma_wait3A_93, %dma_wait3A_94] : memref<1000000x64xf32, #tpu.memory_space<hbm>> -> memref<64x64xf32, #tpu.memory_space<hbm>>
      tpu.wait_dma2 semaphore(%arg13 : memref<!tpu.dma_semaphore, #tpu.memory_space<semaphore_mem>>) src(%dma_wait3A_95 : memref<64x64xf32, #tpu.memory_space<hbm>>) dst(%dma_wait3A_92 : memref<64x64xf32, #tpu.memory_space<vmem>>)
      %dma_wait3A_96 = arith.constant 192 : i32
      %dma_wait3A_97 = arith.constant 0 : i32
      %dma_wait3A_98 = tpu.memref_slice %arg9[%dma_wait3A_96, %dma_wait3A_97] : memref<256x64xf32, #tpu.memory_space<vmem>> -> memref<64x64xf32, #tpu.memory_space<vmem>>
      %dma_wait3A_99 = arith.constant 0 : i32
      %dma_wait3A_100 = arith.constant 0 : i32
      %dma_wait3A_101 = tpu.memref_slice %arg4[%dma_wait3A_99, %dma_wait3A_100] : memref<1000000x64xf32, #tpu.memory_space<hbm>> -> memref<64x64xf32, #tpu.memory_space<hbm>>
      %dma_wait3A_102 = arith.constant 192 : i32
      %dma_wait3A_103 = arith.constant 0 : i32
      %dma_wait3A_104 = tpu.memref_slice %arg9[%dma_wait3A_102, %dma_wait3A_103] : memref<256x64xf32, #tpu.memory_space<vmem>> -> memref<64x64xf32, #tpu.memory_space<vmem>>
      %dma_wait3A_105 = arith.constant 0 : i32
      %dma_wait3A_106 = arith.constant 0 : i32
      %dma_wait3A_107 = tpu.memref_slice %arg4[%dma_wait3A_105, %dma_wait3A_106] : memref<1000000x64xf32, #tpu.memory_space<hbm>> -> memref<64x64xf32, #tpu.memory_space<hbm>>
      tpu.wait_dma2 semaphore(%arg13 : memref<!tpu.dma_semaphore, #tpu.memory_space<semaphore_mem>>) src(%dma_wait3A_107 : memref<64x64xf32, #tpu.memory_space<hbm>>) dst(%dma_wait3A_104 : memref<64x64xf32, #tpu.memory_space<vmem>>)
      %scan3A_108 = arith.constant 0 : i32
      %scan3A_109 = arith.constant 0 : i32
      %scan3A_110 = arith.constant 256 : i32
      %scan3A_111 = arith.addi %scan3A_109, %scan3A_110 : i32
      %scan3A_112 = arith.constant 1 : i32
      scf.for %scan3A_115 = %scan3A_109 to %scan3A_111 step %scan3A_112  : i32 {
        %get3A = arith.index_cast %scan3A_115 : i32 to index
        %get3A_116 = arith.constant 0 : index
        %get3A_117 = tpu.vector_load %arg8[%get3A, %get3A_116] {strides = array<i32>} : memref<256x64xf32, #tpu.memory_space<vmem>>, vector<1x16xf32>,
        %get3A_118 = vector.shape_cast %get3A_117 : vector<1x16xf32> to vector<16xf32>
        %get3A_119 = arith.index_cast %scan3A_115 : i32 to index
        %get3A_120 = arith.constant 0 : index
        %get3A_121 = tpu.vector_load %arg9[%get3A_119, %get3A_120] {strides = array<i32>} : memref<256x64xf32, #tpu.memory_space<vmem>>, vector<1x16xf32>,
        %get3A_122 = vector.shape_cast %get3A_121 : vector<1x16xf32> to vector<16xf32>
        %mul3A_123 = arith.mulf %get3A_118, %get3A_122 : vector<16xf32>
        %swap3A = arith.index_cast %scan3A_115 : i32 to index
        %swap3A_124 = arith.constant 0 : index
        %swap3A_125 = tpu.vector_load %arg8[%swap3A, %swap3A_124] {strides = array<i32>} : memref<256x64xf32, #tpu.memory_space<vmem>>, vector<1x16xf32>,
        %swap3A_126 = vector.shape_cast %swap3A_125 : vector<1x16xf32> to vector<16xf32>
        %swap3A_127 = vector.shape_cast %mul3A_123 : vector<16xf32> to vector<1x16xf32>
        tpu.vector_store %arg8[%swap3A, %swap3A_124], %swap3A_127 {strides = array<i32>} : memref<256x64xf32, #tpu.memory_space<vmem>>, vector<1x16xf32>,
        %get3A_128 = arith.index_cast %scan3A_115 : i32 to index
        %get3A_129 = arith.constant 16 : index
        %get3A_130 = tpu.vector_load %arg8[%get3A_128, %get3A_129] {strides = array<i32>} : memref<256x64xf32, #tpu.memory_space<vmem>>, vector<1x16xf32>,
        %get3A_131 = vector.shape_cast %get3A_130 : vector<1x16xf32> to vector<16xf32>
        %get3A_132 = arith.index_cast %scan3A_115 : i32 to index
        %get3A_133 = arith.constant 16 : index
        %get3A_134 = tpu.vector_load %arg9[%get3A_132, %get3A_133] {strides = array<i32>} : memref<256x64xf32, #tpu.memory_space<vmem>>, vector<1x16xf32>,
        %get3A_135 = vector.shape_cast %get3A_134 : vector<1x16xf32> to vector<16xf32>
        %mul3A_136 = arith.mulf %get3A_131, %get3A_135 : vector<16xf32>
        %swap3A_137 = arith.index_cast %scan3A_115 : i32 to index
        %swap3A_138 = arith.constant 16 : index
        %swap3A_139 = tpu.vector_load %arg8[%swap3A_137, %swap3A_138] {strides = array<i32>} : memref<256x64xf32, #tpu.memory_space<vmem>>, vector<1x16xf32>,
        %swap3A_140 = vector.shape_cast %swap3A_139 : vector<1x16xf32> to vector<16xf32>
        %swap3A_141 = vector.shape_cast %mul3A_136 : vector<16xf32> to vector<1x16xf32>
        tpu.vector_store %arg8[%swap3A_137, %swap3A_138], %swap3A_141 {strides = array<i32>} : memref<256x64xf32, #tpu.memory_space<vmem>>, vector<1x16xf32>,
        %get3A_142 = arith.index_cast %scan3A_115 : i32 to index
        %get3A_143 = arith.constant 32 : index
        %get3A_144 = tpu.vector_load %arg8[%get3A_142, %get3A_143] {strides = array<i32>} : memref<256x64xf32, #tpu.memory_space<vmem>>, vector<1x16xf32>,
        %get3A_145 = vector.shape_cast %get3A_144 : vector<1x16xf32> to vector<16xf32>
        %get3A_146 = arith.index_cast %scan3A_115 : i32 to index
        %get3A_147 = arith.constant 32 : index
        %get3A_148 = tpu.vector_load %arg9[%get3A_146, %get3A_147] {strides = array<i32>} : memref<256x64xf32, #tpu.memory_space<vmem>>, vector<1x16xf32>,
        %get3A_149 = vector.shape_cast %get3A_148 : vector<1x16xf32> to vector<16xf32>
        %mul3A_150 = arith.mulf %get3A_145, %get3A_149 : vector<16xf32>
        %swap3A_151 = arith.index_cast %scan3A_115 : i32 to index
        %swap3A_152 = arith.constant 32 : index
        %swap3A_153 = tpu.vector_load %arg8[%swap3A_151, %swap3A_152] {strides = array<i32>} : memref<256x64xf32, #tpu.memory_space<vmem>>, vector<1x16xf32>,
        %swap3A_154 = vector.shape_cast %swap3A_153 : vector<1x16xf32> to vector<16xf32>
        %swap3A_155 = vector.shape_cast %mul3A_150 : vector<16xf32> to vector<1x16xf32>
        tpu.vector_store %arg8[%swap3A_151, %swap3A_152], %swap3A_155 {strides = array<i32>} : memref<256x64xf32, #tpu.memory_space<vmem>>, vector<1x16xf32>,
        %get3A_156 = arith.index_cast %scan3A_115 : i32 to index
        %get3A_157 = arith.constant 48 : index
        %get3A_158 = tpu.vector_load %arg8[%get3A_156, %get3A_157] {strides = array<i32>} : memref<256x64xf32, #tpu.memory_space<vmem>>, vector<1x16xf32>,
        %get3A_159 = vector.shape_cast %get3A_158 : vector<1x16xf32> to vector<16xf32>
        %get3A_160 = arith.index_cast %scan3A_115 : i32 to index
        %get3A_161 = arith.constant 48 : index
        %get3A_162 = tpu.vector_load %arg9[%get3A_160, %get3A_161] {strides = array<i32>} : memref<256x64xf32, #tpu.memory_space<vmem>>, vector<1x16xf32>,
        %get3A_163 = vector.shape_cast %get3A_162 : vector<1x16xf32> to vector<16xf32>
        %mul3A_164 = arith.mulf %get3A_159, %get3A_163 : vector<16xf32>
        %swap3A_165 = arith.index_cast %scan3A_115 : i32 to index
        %swap3A_166 = arith.constant 48 : index
        %swap3A_167 = tpu.vector_load %arg8[%swap3A_165, %swap3A_166] {strides = array<i32>} : memref<256x64xf32, #tpu.memory_space<vmem>>, vector<1x16xf32>,
        %swap3A_168 = vector.shape_cast %swap3A_167 : vector<1x16xf32> to vector<16xf32>
        %swap3A_169 = vector.shape_cast %mul3A_164 : vector<16xf32> to vector<1x16xf32>
        tpu.vector_store %arg8[%swap3A_165, %swap3A_166], %swap3A_169 {strides = array<i32>} : memref<256x64xf32, #tpu.memory_space<vmem>>, vector<1x16xf32>,
      }
      %scan3A_113 = arith.constant 256 : i32
      %add3A_114 = arith.addi %mul3A_2, %multiple_of3A : i32
      "tpu.region"() ({
        %run_scoped3A = tpu.sem_alloc : memref<!tpu.dma_semaphore, #tpu.memory_space<semaphore_mem>>
        %dma_start3A = arith.constant 0 : i32
        %dma_start3A_115 = tpu.memref_slice %arg5[%add3A_114, %dma_start3A] : memref<16384x64xf32, #tpu.memory_space<hbm>> -> memref<256x64xf32, #tpu.memory_space<hbm>>
        %dma_start3A_116 = arith.constant 0 : i32
        %dma_start3A_117 = tpu.memref_slice %arg5[%add3A_114, %dma_start3A_116] : memref<16384x64xf32, #tpu.memory_space<hbm>> -> memref<256x64xf32, #tpu.memory_space<hbm>>
        tpu.enqueue_dma source(%arg8 : memref<256x64xf32, #tpu.memory_space<vmem>>) target(%dma_start3A_117 : memref<256x64xf32, #tpu.memory_space<hbm>>) target_semaphore(%run_scoped3A : memref<!tpu.dma_semaphore, #tpu.memory_space<semaphore_mem>>)
        %dma_wait3A_118 = arith.constant 0 : i32
        %dma_wait3A_119 = tpu.memref_slice %arg5[%add3A_114, %dma_wait3A_118] : memref<16384x64xf32, #tpu.memory_space<hbm>> -> memref<256x64xf32, #tpu.memory_space<hbm>>
        %dma_wait3A_120 = arith.constant 0 : i32
        %dma_wait3A_121 = tpu.memref_slice %arg5[%add3A_114, %dma_wait3A_120] : memref<16384x64xf32, #tpu.memory_space<hbm>> -> memref<256x64xf32, #tpu.memory_space<hbm>>
        tpu.wait_dma2 semaphore(%run_scoped3A : memref<!tpu.dma_semaphore, #tpu.memory_space<semaphore_mem>>) src(%arg8 : memref<256x64xf32, #tpu.memory_space<vmem>>) dst(%dma_wait3A_121 : memref<256x64xf32, #tpu.memory_space<hbm>>)
        tpu.yield
      }) : () -> ()
    }
    %scan3A_7 = arith.constant 2 : i32
    return
  }
}

</mosaic_0001>

<sc_bundles>
// kernel: kernel.3.cloned.1.call-start
scs
__scs_entry_jumppad:
0x0: {  	(pc) =	sbr.rel $0x88, $3  }
0x1: {  	(tag) =	ssettag $0x0;
	lr =	simm.s32 $0x1  }
0x2: {  	[smem:$0x3F9F] =	sst lr;
	_ =	strace $0xD0000000  }
0x3: {  	_ = 	snop  }
0x4: {  	_ = 	snop  }
0x5: {  	_ = 	snop  }
0x6: {  	_ = 	snop  }
0x7: {  	_ = 	snop  }
__scs_overlays_trampoline_lowered:
0x8: {  	[smem:$0x3FAE] =	sst s0  }
0x9: {  	[smem:$0x3FAF] =	sst s1  }
0xa: {  	[smem:$0x3FB0] =	sst s2  }
0xb: {  	[smem:$0x3FB1] =	sst s3  }
0xc: {  	[smem:$0x3FB2] =	sst s4  }
0xd: {  	[smem:$0x3FB3] =	sst s5  }
0xe: {  	[smem:$0x3FB4] =	sst s6  }
0xf: {  	[smem:$0x3FB5] =	sst s7  }
0x10: {  	[smem:$0x3FB6] =	sst s8  }
0x11: {  	[smem:$0x3FB7] =	sst s9;
	s0 =	simm.s32 @!p0 $0x0  }
0x12: {  	s1 =	sld [smem:$0x3F9D];
	s0 =	simm.s32 @p0 $0x1  }
0x13: {  	[smem:$0x3FB8] =	sst s0;
	s0 =	simm.s32 @!p1 $0x0  }
0x14: {  	s2 =	sld [smem:$0x3F9C];
	s0 =	simm.s32 @p1 $0x1  }
0x15: {  	[smem:$0x3FB9] =	sst s0;
	s0 =	simm.s32 @!p2 $0x0  }
0x16: {  	s3 =	sld [smem:$0x3FDB];
	s0 =	simm.s32 @p2 $0x1  }
0x17: {  	s4 =	simm.s32 $0x1BF5;
	[smem:$0x3FBB] =	sst s0  }
0x18: {  	s0 =	sld [smem:$0x3F9E];
	_ =	swait.ge [sflag:s4], $0x0  }
0x19: {  	s7 =	sld [smem:$0x3F9F]  }
0x1a: {  	s8 =	sadd.s32 $0xFFFFE003, lr  }
0x1b: {  	s9 =	sadd.s32 $0xFFFFFEF7, lr;
	s5 =	simm.s32 $0xFFFFFFFF;
	p2 =	slt.u32 s8, $0xFFFFF086  }
0x1c: {  	p1 =	slt.u32 s9, $0xF7A;
	s5 =	simm.s32 @!p2 $0x0  }
0x1d: {  	s5 =	simm.s32 @p1 $0x1;
	p0 =	seq.s32 s7, s2  }
0x1e: {  	s7 =	smul.u32 @!p0 $0xF7A, s2;
	p2 =	seq.s32 @!p0 s5, $0x0  }
0x1f: {  	s9 =	smul.u32 $0xF7A, s1;
	s8 =	simm.s32 @!p0 $0x1BF5;
	p2 =	por !p2, p0  }
0x20: {  	[sflag:s8] =	ssyncset.s32 @!p0 $0xFFFFF086;
	s6 =	sadd.s32 @!p0 s3, s7;
	s7 =	simm.s32 @!p0 $0x108  }
0x21: {  	s3 =	sadd.s32 s3, s9;
	s6 =	sadd.s32 @!p0 $0x88, s6;
	s7 =	simm.s32 @p2 $0x1082  }
0x22: {  	[simem:s7], [sflag:s8] =	dma.local @!p0 [hbm:s6], $0xF7A  }
0x23: {  	s9 =	sor.u32 $0xD0000000, s2;
	s6 =	simm.s32 $0x108;
	_ =	swait.ge @!p0 [sflag:s8], $0x0  }
0x24: {  	s3 =	sadd.s32 $0x88, s3;
	s6 =	simm.s32 @!p1 $0x1082;
	[sflag:s4] =	ssyncset.s32 $0xFFFFF086  }
0x25: {  	[simem:s6], [sflag:s4] =	dma.local [hbm:s3], $0xF7A  }
0x26: {  	[smem:$0x3F9F] =	sst s1;
	(tag) =	ssettag s2;
	_ =	strace s9  }
0x27: {  	s1 =	sld [smem:$0x3FAF]  }
0x28: {  	s2 =	sld [smem:$0x3FB0]  }
0x29: {  	s4 =	sld [smem:$0x3FB2]  }
0x2a: {  	p0 =	seq.s32 s5, $0x0;
	s5 =	sld [smem:$0x3FB3]  }
0x2b: {  	s6 =	sld [smem:$0x3FB4]  }
0x2c: {  	s7 =	sld [smem:$0x3FB5]  }
0x2d: {  	s3 =	simm.s32 $0x108;
	s8 =	sld [smem:$0x3FB6]  }
0x2e: {  	s3 =	simm.s32 @!p0 $0x1082;
	s9 =	sld [smem:$0x3FB7]  }
0x2f: {  	lr =	sadd.s32 s0, s3;
	s0 =	sld [smem:$0x3FAE]  }
0x30: {  	s3 =	sld [smem:$0x3FB1]  }
0x31: {  	[smem:$0x3FBA] =	sst s10  }
0x32: {  	s10 =	sld [smem:$0x3FB8];
	_ =	sdelay $0x3  }
0x33: {  	p0 =	seq.s32 s10, $0x1;
	s10 =	sld [smem:$0x3FBA];
	_ =	sdelay $0x3  }
0x34: {  	[smem:$0x3FBA] =	sst s10  }
0x35: {  	s10 =	sld [smem:$0x3FB9];
	_ =	sdelay $0x3  }
0x36: {  	p1 =	seq.s32 s10, $0x1;
	s10 =	sld [smem:$0x3FBA];
	_ =	sdelay $0x3  }
0x37: {  	[smem:$0x3FBA] =	sst s10  }
0x38: {  	s10 =	sld [smem:$0x3FBB]  }
0x39: {  	_ = 	snop;
	(pc) =	sbr.ind lr, $3  }
0x3a: {  	_ = 	snop  }
0x3b: {  	_ = 	snop  }
0x3c: {  	p2 =	seq.s32 s10, $0x1;
	s10 =	sld [smem:$0x3FBA]  }
0x3d: {  	_ =	shalt  }
0x3e: {  	_ =	shalt  }
0x3f: {  	_ =	shalt  }
0x40: {  	_ =	shalt  }
0x41: {  	_ =	shalt  }
0x42: {  	_ =	shalt  }
0x43: {  	_ =	shalt  }
0x44: {  	_ =	shalt  }
0x45: {  	_ =	shalt  }
0x46: {  	_ =	shalt  }
0x47: {  	_ =	shalt  }
0x48: {  	_ =	shalt  }
0x49: {  	_ =	shalt  }
0x4a: {  	_ =	shalt  }
0x4b: {  	_ =	shalt  }
0x4c: {  	_ =	shalt  }
0x4d: {  	_ =	shalt  }
0x4e: {  	_ =	shalt  }
0x4f: {  	_ =	shalt  }
0x50: {  	_ =	shalt  }
0x51: {  	_ =	shalt  }
0x52: {  	_ =	shalt  }
0x53: {  	_ =	shalt  }
0x54: {  	_ =	shalt  }
0x55: {  	_ =	shalt  }
0x56: {  	_ =	shalt  }
0x57: {  	_ =	shalt  }
0x58: {  	_ =	shalt  }
0x59: {  	_ =	shalt  }
0x5a: {  	_ =	shalt  }
0x5b: {  	_ =	shalt  }
0x5c: {  	_ =	shalt  }
0x5d: {  	_ =	shalt  }
0x5e: {  	_ =	shalt  }
0x5f: {  	_ =	shalt  }
0x60: {  	_ =	shalt  }
0x61: {  	_ =	shalt  }
0x62: {  	_ =	shalt  }
0x63: {  	_ =	shalt  }
0x64: {  	_ =	shalt  }
0x65: {  	_ =	shalt  }
0x66: {  	_ =	shalt  }
0x67: {  	_ =	shalt  }
0x68: {  	_ =	shalt  }
0x69: {  	_ =	shalt  }
0x6a: {  	_ =	shalt  }
0x6b: {  	_ =	shalt  }
0x6c: {  	_ =	shalt  }
0x6d: {  	_ =	shalt  }
0x6e: {  	_ =	shalt  }
0x6f: {  	_ =	shalt  }
0x70: {  	_ =	shalt  }
0x71: {  	_ =	shalt  }
0x72: {  	_ =	shalt  }
0x73: {  	_ =	shalt  }
0x74: {  	_ =	shalt  }
0x75: {  	_ =	shalt  }
0x76: {  	_ =	shalt  }
0x77: {  	_ =	shalt  }
0x78: {  	_ =	shalt  }
0x79: {  	_ =	shalt  }
0x7a: {  	_ =	shalt  }
0x7b: {  	_ =	shalt  }
0x7c: {  	_ =	shalt  }
0x7d: {  	_ =	shalt  }
0x7e: {  	_ =	shalt  }
0x7f: {  	_ =	shalt  }
0x80: {  	_ =	shalt  }
0x81: {  	_ =	shalt  }
0x82: {  	_ =	shalt  }
0x83: {  	_ =	shalt  }
0x84: {  	_ =	shalt  }
0x85: {  	_ =	shalt  }
0x86: {  	_ =	shalt  }
0x87: {  	_ =	shalt  }
.Lfunc_end0:
.L_simem_size_0:
called_computation_lowered:
.L_overlay_start_0:
0x88: {  	s2 =	sld [smem:$0x3FD9]  }
0x89: {  	s3 =	sld [smem:$0x3FFE];
	_ =	sdelay $0x1  }
0x8a: {  	s1 =	srdreg.scid  }
0x8b: {  	s0 =	sand.u32 $0x1, s1  }
0x8c: {  	s17 =	sshll.u32 s0, $0xA;
	s2 =	sadd.s32 s3, s2  }
0x8d: {  	s2 =	sadd.s32 s2, s17  }
0x8e: {  	[smem:$0x3FC6] =	sst s2  }
0x8f: {  	_ = 	snop  }
0x90: {  	s2 =	sld [smem:$0x3FD0];
	(tm) =	ssettm $0x1  }
0x91: {  	s18 =	sld [smem:$0x3FFB];
	_ =	sdelay $0x3  }
0x92: {  	_ =	strace s18  }
0x93: {  	s3 =	sld [smem:$0x3FFC];
	_ =	sdelay $0x3  }
0x94: {  	_ =	strace s3  }
0x95: {  	s3 =	sld [smem:$0x3FFD];
	_ =	sdelay $0x3  }
0x96: {  	_ =	strace s3  }
0x97: {  	_ =	strace $0x8FFFFFFF  }
0x98: {  	s19 =	sld [smem:$0x3FDB];
	_ =	sdelay $0x1  }
0x99: {  	s4 =	simm.s32 $_scs_section_size  }
0x9a: {  	s5 =	simm.s32 $_size__tile_overlayer_lowered;
	s6 =	simm.s32 $_tile_overlayer_lowered  }
0x9b: {  	s22 =	simm.s32 $0x1BFF;
	s21 =	sshll.u32 s6, $0x1;
	s3 =	sadd.s32 s4, s19  }
0x9c: {  	s7 =	simm.s32 $0x0;
	s20 =	sshll.u32 s5, $0x1;
	s5 =	sadd.s32 s21, s3  }
0x9d: {  	[timem:s7], [sflag:s22] =	dma.local [hbm:s5], s20  }
0x9e: {  	_ =	swait.ge [sflag:s22], s20  }
0x9f: {  	s4 =	ssub.s32 $0x0, s20;
	[sflag:s22] =	ssyncset.done $0x0  }
0xa0: {  	[sflag:s22] =	ssyncadd.s32 s4;
	_ =	sdelay $0x1  }
0xa1: {  	s23 =	simm.s32 $0x1B8B  }
0xa2: {  	_ =	swait.ge [sflag:s23], $0x1  }
0xa3: {  	[sflag:s23] =	ssyncset.done $0x0  }
0xa4: {  	s25 =	simm.s32 $0x1B8E;
	s24 =	sld [smem:$0x3FFE];
	[sflag:s23] =	ssyncadd.s32 $0xFFFFFFFF  }
0xa5: {  	s26 =	simm.s32 $execute0_lowered;
	[smem:$0x3FD2] =	sst s25  }
0xa6: {  	s5 =	sshll.u32 s26, $0x1;
	_ =	strace $0x80000046;
	[dreg:$0x1] =	wrdreg $0xFFFFFFFF  }
0xa7: {  	s28 =	simm.s32 $_size_execute0_lowered;
	s3 =	sadd.s32 s3, s5;
	[dreg:$0x0] =	wrdreg $0x0  }
0xa8: {  	s5 =	sshll.u32 s28, $0x1;
	[dreg:$0x2] =	wrdreg s3  }
0xa9: {  	[dreg:$0x3] =	wrdreg s5  }
0xaa: {  	[dreg:$0x4] =	wrdreg $0xC0  }
0xab: {  	_ =	task [dreg:s7], $0x5FFFF  }
0xac: {  	[dreg:$0x1] =	wrdreg $0xFFFFFFFF  }
0xad: {  	[dreg:$0x0] =	wrdreg $0x60  }
0xae: {  	[dreg:$0x2] =	wrdreg s24  }
0xaf: {  	[dreg:$0x3] =	wrdreg s2  }
0xb0: {  	[dreg:$0x4] =	wrdreg $0x9  }
0xb1: {  	_ =	task.clear_ibuf [dreg:s7], $0x5FFFF;
	_ =	strace $0x90000046  }
0xb2: {  	s29 =	simm.s32 $0x9;
	_ =	strace $0x80000048  }
0xb3: {  	_ =	swait.ge [sflag:s29], $0x1  }
0xb4: {  	[sflag:s29] =	ssyncadd.s32 $0xFFFFFFFF  }
0xb5: {  	_ =	strace $0x90000048  }
0xb6: {  	_ =	sfence  }
0xb7: {  	s30 =	sld [smem:$0x0];
	_ =	sdelay $0x2  }
0xb8: {  	s31 =	sshll.u32 s1, $0xD;
	s1 =	sshrl.u32 s1, $0x2  }
0xb9: {  	s3 =	sand.u32 $0x4000, s31;
	s1 =	sadd.s32 s1, s30  }
0xba: {  	s0 =	sor.u32 s3, s0;
	s1 =	sshll.u32 s1, $0x11  }
0xbb: {  	s0 =	sor.u32 s1, s0  }
0xbc: {  	s0 =	sadd.s32 $0x8F2B, s0  }
0xbd: {  	[sflag:s0] =	ssyncadd.remote.s32 $0x1  }
0xbe: {  	_ =	sfence.sel $0xFFFF  }
0xbf: {  	[dreg:$0x0] =	wrdreg $0xFFFFFFFF;
	(pc) =	sbr.abs _section_cstart, $3  }
0xc0: {  	[dreg:$0x1] =	wrdreg $0xFFFFFFFF  }
0xc1: {  	_ =	task.clear_ibuf [dreg:s7], $0x2FFFF;
	_ =	strace $0x9FFFFFFF  }
0xc2: {  	(tm) =	ssettm $0x7FFFFFFF  }
0xc3: {  	_ =	shalt  }
tec
execute0_lowered:
.L_overlay_start_1:
0x0: {  	(tag) =	ssettag $0x1  }
0x1: {  	s0 =	srdreg.scid  }
0x2: {  	s1 =	rddreg [dreg:$0x0];
	s2 =	stileid.u32  }
0x3: {  	s3 =	rddreg [dreg:$0x1];
	s0 =	sand.u32 $0x1, s0;
	s4 =	sshll.u32 s2, $0xA  }
0x4: {  	s2 =	simm.s32 $0x0;
	s5 =	sshll.u32 s0, $0x9;
	s0 =	ssub.s32 $0x2, s0  }
0x5: {  	[smem:$0x7FF] =	sst s2;
	s4 =	sor.u32 s5, s4;
	s29 =	sshrl.u32 s0, $0x1  }
0x6: {  	[smem:$0x7F9] =	sst s4;
	s5 =	sshrl.u32 s4, $0x3;
	s4 =	sadd.s32 $0xE00, s1  }
0x7: {  	s0 =	ssub.s32 s0, s29;
	s6 =	sadd.s32 s5, s1;
	s1 =	sadd.s32 $0xF43200, s1  }
0x8: {  	_ =	strace $0x80000047;
	s31 =	sadd.s32 s3, s5;
	[smem:$0x7FA] =	sst s1  }
0x9: {  	s0 =	smax.u32 s0, $0x1;
	[smem:$0x7FC] =	sst s31  }
0xa: {  	s30 =	sadd.s32 $0x600, s6;
	[smem:$0x7FD] =	sst s0  }
0xb: {  	s1 =	simm.s32 $0x0;
	[smem:$0x7FB] =	sst s30  }
.LBB2_1:
0xc: {  	s0 =	sld [smem:$0x7FB];
	_ =	sdelay $0x1  }
0xd: {  	[smem:$0x7F8] =	sst s1;
	s30 =	simm.s32 $0x5  }
0xe: {  	[tilespmem:s2], [sflag:$0x5] =	stream.linear.gather [hbm4b:s0+s2], $0x200, $0x38;
	[tilespmem:$0x10400] =	vst v63  }
0xf: {  	_ =	swait.ge [sflag:s30], $0x200  }
0x10: {  	s31 =	sld [smem:$0x7FC]  }
0x11: {  	[sflag:s30] =	ssyncset.done $0x0  }
0x12: {  	s3 =	simm.s32 $0x200;
	[sflag:s30] =	ssyncadd.s32 $0xFFFFFE00  }
0x13: {  	[tilespmem:s3], [sflag:$0x5] =	stream.linear.gather [hbm4b:s31+s2], $0x200, $0x38;
	[tilespmem:$0x10400] =	vst v63  }
0x14: {  	_ =	swait.ge [sflag:s30], $0x200  }
0x15: {  	[sflag:s30] =	ssyncset.done $0x0  }
0x16: {  	p1 =	por $0x1, $0x1;
	s0 =	simm.s32 $0x0;
	[sflag:s30] =	ssyncadd.s32 $0xFFFFFE00  }
.LBB2_2:
0x17: {  	s21 =	sshll.u32 s0, $0x2  }
0x18: {  	[smem:$0x7F7] =	sst s0;
	s0 =	sshra.s32 s21, $0x2  }
0x19: {  	s8 =	sadd.s32 $0x10, s0  }
0x1a: {  	s10 =	sadd.s32 $0x210, s0;
	v0 =	vld [tilespmem:s8+$0xFFFFFFF0]  }
0x1b: {  	v2 =	vld [tilespmem:s10+$0xFFFFFFF0];
	_ =	sdelay $0x3  }
0x1c: {  	v1 =	vshll.u32 v0, $0x4  }
0x1d: {  	v63 =	vshll.u32 v2, $0x4;
	(v2sf) =	vpush v1, $0x0  }
0x1e: {  	(v2sf) =	vpush v63, $0x0  }
0x1f: {  	(v2sf) =	vpush v1, $0x1;
	_ =	sdelay $0x1  }
0x20: {  	(v2sf) =	vpush v63, $0x1  }
0x21: {  	(v2sf) =	vpush v1, $0x2;
	_ =	sdelay $0x1  }
0x22: {  	(v2sf) =	vpush v63, $0x2;
	_ =	sdelay $0x1  }
0x23: {  	(v2sf) =	vpush v1, $0x3;
	_ =	sdelay $0x2  }
0x24: {  	s1 =	simm.s32 $0x400;
	s5 =	simm.s32 $0x8400  }
0x25: {  	s23 =	simm.s32 $0x480;
	s26 =	simm.s32 $0x8480;
	s29 =	simm.s32 $0x500  }
0x26: {  	s9 =	simm.s32 $0x580;
	s12 =	simm.s32 $0x8580;
	s15 =	simm.s32 $0x600  }
0x27: {  	s18 =	simm.s32 $0x8600;
	s20 =	simm.s32 $0x680;
	s22 =	spop (v2sf);
	(v2sf) =	vpush v63, $0x3  }
0x28: {  	p0 =	por p1, p1;
	s0 =	sand.u32 $0x1FFFFFF0, s22;
	s3 =	spop (v2sf)  }
0x29: {  	s0 =	sadd.s32 s4, s0;
	s3 =	sand.u32 $0x1FFFFFF0, s3;
	s6 =	spop (v2sf)  }
0x2a: {  	(v2sf) =	vpush v1, $0x4;
	[tilespmem:s1], [sflag:$0x1] =	stream.linear.gather [hbm4b:s0+s2], $0x80, $0x38;
	[tilespmem:$0x10400] =	vst v63  }
0x2b: {  	(v2sf) =	vpush v63, $0x4;
	s1 =	simm.s32 $0x8A00;
	s0 =	simm.s32 $0xA80;
	s7 =	spop (v2sf)  }
0x2c: {  	s3 =	sadd.s32 s4, s3;
	s6 =	sand.u32 $0x1FFFFFF0, s6;
	s28 =	spop (v2sf)  }
0x2d: {  	(v2sf) =	vpush v1, $0x5;
	[tilespmem:s5], [sflag:$0x1] =	stream.linear.gather [hbm4b:s3+s2], $0x80, $0x38;
	[tilespmem:$0x10400] =	vst v63  }
0x2e: {  	s24 =	sadd.s32 s4, s6;
	s25 =	sand.u32 $0x1FFFFFF0, s7;
	s30 =	spop (v2sf)  }
0x2f: {  	(v2sf) =	vpush v63, $0x5;
	[tilespmem:s23], [sflag:$0x2] =	stream.linear.gather [hbm4b:s24+s2], $0x80, $0x38;
	[tilespmem:$0x10400] =	vst v63  }
0x30: {  	s6 =	sadd.s32 s4, s25;
	s5 =	sand.u32 $0x1FFFFFF0, s28;
	s31 =	spop (v2sf)  }
0x31: {  	(v2sf) =	vpush v1, $0x6;
	[tilespmem:s26], [sflag:$0x2] =	stream.linear.gather [hbm4b:s6+s2], $0x80, $0x38;
	[tilespmem:$0x10400] =	vst v63  }
0x32: {  	s5 =	sadd.s32 s4, s5;
	s7 =	sand.u32 $0x1FFFFFF0, s31;
	s6 =	sand.u32 $0x1FFFFFF0, s30  }
0x33: {  	(v2sf) =	vpush v63, $0x6;
	[tilespmem:s29], [sflag:$0x3] =	stream.linear.gather [hbm4b:s5+s2], $0x80, $0x38;
	[tilespmem:$0x10400] =	vst v63  }
0x34: {  	s23 =	simm.s32 $0x8680;
	s6 =	sadd.s32 s4, s6;
	s5 =	simm.s32 $0x8500  }
0x35: {  	[tilespmem:s5], [sflag:$0x3] =	stream.linear.gather [hbm4b:s6+s2], $0x80, $0x38;
	[tilespmem:$0x10400] =	vst v63  }
0x36: {  	s26 =	simm.s32 $0x700;
	s6 =	sadd.s32 s4, s7;
	s11 =	spop (v2sf)  }
0x37: {  	(v2sf) =	vpush v1, $0x7;
	[tilespmem:s9], [sflag:$0x4] =	stream.linear.gather [hbm4b:s6+s2], $0x80, $0x38;
	[tilespmem:$0x10400] =	vst v63  }
0x38: {  	s29 =	simm.s32 $0x8700;
	s7 =	simm.s32 $0x980;
	s5 =	sand.u32 $0x1FFFFFF0, s11  }
0x39: {  	s9 =	simm.s32 $0x780;
	(v2sf) =	vpush v63, $0x7;
	s13 =	spop (v2sf);
	s5 =	sadd.s32 s4, s5  }
0x3a: {  	s6 =	sand.u32 $0x1FFFFFF0, s13;
	s14 =	spop (v2sf);
	(v2sf) =	vpush v1, $0x8;
	s13 =	simm.s32 $0x8780  }
0x3b: {  	[tilespmem:s12], [sflag:$0x4] =	stream.linear.gather [hbm4b:s5+s2], $0x80, $0x38;
	[tilespmem:$0x10400] =	vst v63  }
0x3c: {  	s16 =	sadd.s32 s4, s6;
	s17 =	sand.u32 $0x1FFFFFF0, s14;
	s19 =	spop (v2sf);
	(v2sf) =	vpush v63, $0x8  }
0x3d: {  	(v2sf) =	vpush v1, $0x9;
	[tilespmem:s15], [sflag:$0x1] =	stream.linear.gather [hbm4b:s16+s2], $0x80, $0x38;
	[tilespmem:$0x10400] =	vst v63  }
0x3e: {  	s6 =	sadd.s32 s4, s17;
	s5 =	sand.u32 $0x1FFFFFF0, s19;
	s21 =	spop (v2sf)  }
0x3f: {  	(v2sf) =	vpush v63, $0x9;
	[tilespmem:s18], [sflag:$0x1] =	stream.linear.gather [hbm4b:s6+s2], $0x80, $0x38;
	[tilespmem:$0x10400] =	vst v63  }
0x40: {  	s5 =	sadd.s32 s4, s5;
	s22 =	spop (v2sf);
	s6 =	sand.u32 $0x1FFFFFF0, s21  }
0x41: {  	[tilespmem:s20], [sflag:$0x2] =	stream.linear.gather [hbm4b:s5+s2], $0x80, $0x38;
	[tilespmem:$0x10400] =	vst v63  }
0x42: {  	s25 =	sand.u32 $0x1FFFFFF0, s22;
	s28 =	spop (v2sf);
	s24 =	sadd.s32 s4, s6  }
0x43: {  	(v2sf) =	vpush v1, $0xA;
	[tilespmem:s23], [sflag:$0x2] =	stream.linear.gather [hbm4b:s24+s2], $0x80, $0x38;
	[tilespmem:$0x10400] =	vst v63  }
0x44: {  	s15 =	simm.s32 $0x800;
	s6 =	sadd.s32 s4, s25;
	s5 =	sand.u32 $0x1FFFFFF0, s28  }
0x45: {  	(v2sf) =	vpush v63, $0xA;
	[tilespmem:s26], [sflag:$0x3] =	stream.linear.gather [hbm4b:s6+s2], $0x80, $0x38;
	[tilespmem:$0x10400] =	vst v63  }
0x46: {  	s18 =	simm.s32 $0x8800;
	s5 =	sadd.s32 s4, s5;
	s30 =	spop (v2sf)  }
0x47: {  	[tilespmem:s29], [sflag:$0x3] =	stream.linear.gather [hbm4b:s5+s2], $0x80, $0x38;
	[tilespmem:$0x10400] =	vst v63  }
0x48: {  	s21 =	simm.s32 $0x880;
	s6 =	sand.u32 $0x1FFFFFF0, s30;
	s31 =	spop (v2sf)  }
0x49: {  	s23 =	simm.s32 $0x8880;
	(v2sf) =	vpush v1, $0xB;
	s11 =	sadd.s32 s4, s6;
	s14 =	spop (v2sf)  }
0x4a: {  	[tilespmem:s9], [sflag:$0x4] =	stream.linear.gather [hbm4b:s11+s2], $0x80, $0x38;
	[tilespmem:$0x10400] =	vst v63  }
0x4b: {  	s26 =	simm.s32 $0x900;
	s12 =	sand.u32 $0x1FFFFFF0, s31;
	(v2sf) =	vpush v63, $0xB;
	s16 =	spop (v2sf)  }
0x4c: {  	s6 =	sadd.s32 s4, s12;
	(v2sf) =	vpush v1, $0xC;
	s5 =	sand.u32 $0x1FFFFFF0, s14;
	s17 =	spop (v2sf)  }
0x4d: {  	[tilespmem:s13], [sflag:$0x4] =	stream.linear.gather [hbm4b:s6+s2], $0x80, $0x38;
	[tilespmem:$0x10400] =	vst v63  }
0x4e: {  	s5 =	sadd.s32 s4, s5;
	(v2sf) =	vpush v63, $0xC;
	s6 =	sand.u32 $0x1FFFFFF0, s16;
	s22 =	spop (v2sf)  }
0x4f: {  	(v2sf) =	vpush v1, $0xD;
	[tilespmem:s15], [sflag:$0x1] =	stream.linear.gather [hbm4b:s5+s2], $0x80, $0x38;
	[tilespmem:$0x10400] =	vst v63  }
0x50: {  	s30 =	simm.s32 $0x8900;
	s20 =	sand.u32 $0x1FFFFFF0, s17;
	s19 =	sadd.s32 s4, s6  }
0x51: {  	(v2sf) =	vpush v63, $0xD;
	[tilespmem:s18], [sflag:$0x1] =	stream.linear.gather [hbm4b:s19+s2], $0x80, $0x38;
	[tilespmem:$0x10400] =	vst v63  }
0x52: {  	s6 =	sadd.s32 s4, s20;
	s24 =	spop (v2sf);
	s5 =	sand.u32 $0x1FFFFFF0, s22;
	(v2sf) =	vpush v1, $0xE  }
0x53: {  	[tilespmem:s21], [sflag:$0x2] =	stream.linear.gather [hbm4b:s6+s2], $0x80, $0x38;
	[tilespmem:$0x10400] =	vst v63  }
0x54: {  	s25 =	spop (v2sf);
	s5 =	sadd.s32 s4, s5;
	s6 =	sand.u32 $0x1FFFFFF0, s24  }
0x55: {  	[tilespmem:s23], [sflag:$0x2] =	stream.linear.gather [hbm4b:s5+s2], $0x80, $0x38;
	[tilespmem:$0x10400] =	vst v63  }
0x56: {  	s12 =	simm.s32 $0x8980;
	s29 =	sand.u32 $0x1FFFFFF0, s25;
	(v2sf) =	vpush v63, $0xE;
	s28 =	sadd.s32 s4, s6  }
0x57: {  	[tilespmem:s26], [sflag:$0x3] =	stream.linear.gather [hbm4b:s28+s2], $0x80, $0x38;
	[tilespmem:$0x10400] =	vst v63  }
0x58: {  	s17 =	simm.s32 $0x8A80;
	s6 =	sadd.s32 s4, s29;
	s31 =	spop (v2sf)  }
0x59: {  	[tilespmem:s30], [sflag:$0x3] =	stream.linear.gather [hbm4b:s6+s2], $0x80, $0x38;
	[tilespmem:$0x10400] =	vst v63  }
0x5a: {  	s15 =	simm.s32 $0xA00;
	(v2sf) =	vpush v1, $0xF;
	s5 =	sand.u32 $0x1FFFFFF0, s31;
	s9 =	spop (v2sf)  }
0x5b: {  	s29 =	simm.s32 $0x8B00;
	s5 =	sadd.s32 s4, s5;
	s11 =	spop (v2sf)  }
0x5c: {  	(v2sf) =	vpush v63, $0xF;
	[tilespmem:s7], [sflag:$0x4] =	stream.linear.gather [hbm4b:s5+s2], $0x80, $0x38;
	[tilespmem:$0x10400] =	vst v63  }
0x5d: {  	s26 =	simm.s32 $0xB00;
	s6 =	sand.u32 $0x1FFFFFF0, s9;
	s16 =	spop (v2sf)  }
0x5e: {  	s13 =	sadd.s32 s4, s6;
	s14 =	sand.u32 $0x1FFFFFF0, s11;
	s18 =	spop (v2sf)  }
0x5f: {  	[tilespmem:s12], [sflag:$0x4] =	stream.linear.gather [hbm4b:s13+s2], $0x80, $0x38;
	[tilespmem:$0x10400] =	vst v63  }
0x60: {  	s6 =	sadd.s32 s4, s14;
	s5 =	sand.u32 $0x1FFFFFF0, s16;
	s19 =	spop (v2sf)  }
0x61: {  	s5 =	sadd.s32 s4, s5;
	s21 =	sand.u32 $0x1FFFFFF0, s19;
	s22 =	spop (v2sf)  }
0x62: {  	[tilespmem:s15], [sflag:$0x1] =	stream.linear.gather [hbm4b:s6+s2], $0x80, $0x38;
	[tilespmem:$0x10400] =	vst v63  }
0x63: {  	s6 =	sand.u32 $0x1FFFFFF0, s18;
	s23 =	sadd.s32 s4, s21;
	s24 =	sand.u32 $0x1FFFFFF0, s22  }
0x64: {  	[tilespmem:s1], [sflag:$0x1] =	stream.linear.gather [hbm4b:s5+s2], $0x80, $0x38;
	[tilespmem:$0x10400] =	vst v63  }
0x65: {  	s25 =	spop (v2sf);
	s21 =	simm.s32 $0x0;
	s20 =	sadd.s32 s4, s6  }
0x66: {  	[tilespmem:s0], [sflag:$0x2] =	stream.linear.gather [hbm4b:s20+s2], $0x80, $0x38;
	[tilespmem:$0x10400] =	vst v63  }
0x67: {  	s22 =	sadd.s32 $0x20, s8;
	s28 =	sand.u32 $0x1FFFFFF0, s25;
	s1 =	sadd.s32 s4, s24  }
0x68: {  	[tilespmem:s17], [sflag:$0x2] =	stream.linear.gather [hbm4b:s23+s2], $0x80, $0x38;
	[tilespmem:$0x10400] =	vst v63  }
0x69: {  	s30 =	sadd.s32 s4, s28;
	s20 =	simm.s32 $0x0;
	s31 =	spop (v2sf)  }
0x6a: {  	[tilespmem:s26], [sflag:$0x3] =	stream.linear.gather [hbm4b:s1+s2], $0x80, $0x38;
	[tilespmem:$0x10400] =	vst v63  }
0x6b: {  	s23 =	simm.s32 $0x0;
	s1 =	sand.u32 $0x1FFFFFF0, s31;
	s0 =	spop (v2sf)  }
0x6c: {  	[tilespmem:s29], [sflag:$0x3] =	stream.linear.gather [hbm4b:s30+s2], $0x80, $0x38;
	[tilespmem:$0x10400] =	vst v63  }
.LBB2_3:
0x6d: {  	s3 =	sadd.s32 $0xB80, s20  }
0x6e: {  	s1 =	sadd.s32 s4, s1;
	s28 =	smov.u32 s20;
	s12 =	smov.u32 s22  }
0x6f: {  	v0 =	vld [tilespmem:s22+$0xFFFFFFF0];
	[tilespmem:s3], [sflag:$0x4] =	stream.linear.gather [hbm4b:s1+s2], $0x80, $0x38  }
0x70: {  	s0 =	sand.u32 $0x1FFFFFF0, s0;
	[dreg:$0x11] =	wrdreg s12;
	s13 =	sadd.s32 $0x9380, s28  }
0x71: {  	s5 =	smov.u32 s10;
	s14 =	sadd.s32 $0x1300, s28;
	[dreg:$0x16] =	wrdreg s13  }
0x72: {  	s21 =	sadd.s32 $0x4000, s21;
	s15 =	sadd.s32 $0x9300, s28;
	[dreg:$0x1c] =	wrdreg s14  }
0x73: {  	s10 =	sadd.s32 $0x20, s10;
	s16 =	sadd.s32 $0x1380, s28;
	[dreg:$0x1a] =	wrdreg s15  }
0x74: {  	s11 =	sadd.s32 $0x8B80, s28;
	s17 =	sadd.s32 $0x9200, s28;
	[dreg:$0x18] =	wrdreg s16  }
0x75: {  	s0 =	sadd.s32 s4, s0;
	s18 =	sadd.s32 $0x1280, s28;
	[smem:$0x7F6] =	sst s17  }
0x76: {  	s20 =	sshra.s32 s21, $0x2;
	s19 =	sadd.s32 $0x9280, s28;
	[dreg:$0x1f] =	wrdreg s18  }
0x77: {  	s24 =	sadd.s32 $0x1180, s28;
	s25 =	sadd.s32 $0x9180, s28;
	[dreg:$0x1e] =	wrdreg s19  }
0x78: {  	s26 =	sadd.s32 $0x1200, s28;
	s6 =	sadd.s32 $0x9080, s28;
	[smem:$0x7F3] =	sst s24  }
0x79: {  	s29 =	sadd.s32 $0x9100, s28;
	s7 =	sadd.s32 $0x1080, s28;
	[smem:$0x7F4] =	sst s25  }
0x7a: {  	s1 =	sadd.s32 $0xF80, s28;
	s3 =	sadd.s32 $0x8F80, s28;
	[smem:$0x7F5] =	sst s26  }
0x7b: {  	s12 =	sadd.s32 $0x8E00, s28;
	[smem:$0x7F2] =	sst s29;
	s24 =	sadd.s32 $0xB00, s20  }
0x7c: {  	[tilespmem:s11], [sflag:$0x4] =	stream.linear.gather [hbm4b:s0+s2], $0x80, $0x38;
	v0 =	vshll.u32 v0, $0x4;
	[tilespmem:$0x10400] =	vst v63  }
0x7d: {  	s9 =	sadd.s32 $0x8D00, s28;
	s30 =	sadd.s32 $0x8B00, s20;
	[dreg:$0x4] =	wrdreg s24;
	v1 =	vld [tilespmem:s8+$0x0];
	(v2sf) =	vpush v0, $0x0  }
0x7e: {  	s16 =	sadd.s32 $0x1000, s28;
	s31 =	sadd.s32 $0x8A00, s20;
	[dreg:$0x3] =	wrdreg s30;
	v3 =	vld [tilespmem:s5+$0x0]  }
0x7f: {  	s15 =	sadd.s32 $0x8E80, s28;
	[dreg:$0x7] =	wrdreg s31;
	s30 =	sadd.s32 $0xA80, s20  }
0x80: {  	s18 =	sadd.s32 $0xF00, s28;
	s31 =	sadd.s32 $0x8A80, s20;
	[dreg:$0x6] =	wrdreg s30  }
0x81: {  	s14 =	sadd.s32 $0x8D80, s28;
	[dreg:$0x5] =	wrdreg s31;
	s30 =	sadd.s32 $0x980, s20  }
0x82: {  	s13 =	sadd.s32 $0xE00, s28;
	s31 =	sadd.s32 $0x8980, s20;
	[dreg:$0xa] =	wrdreg s30;
	v2 =	vshll.u32 v1, $0x4  }
0x83: {  	s19 =	sadd.s32 $0xD00, s28;
	[dreg:$0x9] =	wrdreg s31;
	s30 =	sadd.s32 $0xA00, s20;
	v61 =	vshll.u32 v3, $0x4;
	(v2sf) =	vpush v2, $0x0  }
0x84: {  	s17 =	sadd.s32 $0xD80, s28;
	s31 =	sadd.s32 $0x8880, s20;
	[dreg:$0x8] =	wrdreg s30;
	(v2sf) =	vpush v61, $0x0  }
0x85: {  	s29 =	sadd.s32 $0x8C00, s28;
	[dreg:$0xd] =	wrdreg s31;
	s30 =	sadd.s32 $0x900, s20;
	(v2sf) =	vpush v2, $0x1  }
0x86: {  	s26 =	sadd.s32 $0xC80, s28;
	s31 =	sadd.s32 $0x8900, s20;
	[dreg:$0xc] =	wrdreg s30  }
0x87: {  	s25 =	sadd.s32 $0x8C80, s28;
	[dreg:$0xb] =	wrdreg s31;
	s30 =	sadd.s32 $0x800, s20;
	(v2sf) =	vpush v61, $0x1  }
0x88: {  	s0 =	sadd.s32 $0x8F00, s28;
	s31 =	sadd.s32 $0x8800, s20;
	[dreg:$0x10] =	wrdreg s30  }
0x89: {  	s11 =	sadd.s32 $0xE80, s28;
	[dreg:$0xf] =	wrdreg s31;
	s30 =	sadd.s32 $0x880, s20;
	(v2sf) =	vpush v2, $0x2  }
0x8a: {  	s24 =	sadd.s32 $0x8680, s20;
	s31 =	sadd.s32 $0x780, s20;
	[dreg:$0xe] =	wrdreg s30  }
0x8b: {  	s5 =	sadd.s32 $0x1100, s28;
	[dreg:$0x13] =	wrdreg s31;
	s30 =	sadd.s32 $0x8780, s20;
	(v2sf) =	vpush v61, $0x2  }
0x8c: {  	s31 =	sadd.s32 $0x700, s20;
	[dreg:$0x12] =	wrdreg s30;
	s30 =	spop (v2sf)  }
0x8d: {  	[dreg:$0x15] =	wrdreg s31;
	s31 =	sadd.s32 $0x8700, s20;
	(v2sf) =	vpush v2, $0x3;
	s30 =	sand.u32 $0x1FFFFFF0, s30  }
0x8e: {  	[dreg:$0x14] =	wrdreg s31;
	s31 =	sadd.s32 $0x400, s20;
	s30 =	sadd.s32 s4, s30  }
0x8f: {  	v62 =	vld [tilespmem:s10+$0xFFFFFFF0];
	(v2sf) =	vpush v61, $0x3;
	[tilespmem:s31], [sflag:$0x1] =	stream.linear.gather [hbm4b:s30+s2], $0x80, $0x38  }
0x90: {  	s8 =	sadd.s32 $0x9000, s28;
	[dreg:$0x17] =	wrdreg s24;
	s31 =	sadd.s32 $0x8600, s20  }
0x91: {  	s28 =	sadd.s32 $0xC00, s28;
	(v2sf) =	vpush v2, $0x4;
	s30 =	sadd.s32 $0x680, s20;
	[dreg:$0x1b] =	wrdreg s31  }
0x92: {  	[dreg:$0x19] =	wrdreg s30;
	s30 =	spop (v2sf);
	s31 =	sadd.s32 $0x600, s20  }
0x93: {  	[dreg:$0x1d] =	wrdreg s31;
	s30 =	sand.u32 $0x1FFFFFF0, s30;
	s24 =	spop (v2sf);
	(v2sf) =	vpush v61, $0x4  }
0x94: {  	s30 =	sadd.s32 s4, s30;
	s31 =	sand.u32 $0x1FFFFFF0, s24;
	s24 =	spop (v2sf)  }
0x95: {  	(v2sf) =	vpush v2, $0x5;
	[tilespmem:s28], [sflag:$0x1] =	stream.linear.gather [hbm4b:s30+s2], $0x80, $0x38;
	[tilespmem:$0x10400] =	vst v63  }
0x96: {  	s28 =	sadd.s32 s4, s31;
	s24 =	sand.u32 $0x1FFFFFF0, s24;
	s31 =	spop (v2sf);
	(v2sf) =	vpush v61, $0x5  }
0x97: {  	[tilespmem:s29], [sflag:$0x1] =	stream.linear.gather [hbm4b:s28+s2], $0x80, $0x38;
	[tilespmem:$0x10400] =	vst v63  }
0x98: {  	s24 =	sadd.s32 s4, s24;
	s30 =	sand.u32 $0x1FFFFFF0, s31;
	s31 =	spop (v2sf);
	(v2sf) =	vpush v2, $0x6  }
0x99: {  	[tilespmem:s26], [sflag:$0x2] =	stream.linear.gather [hbm4b:s24+s2], $0x80, $0x38;
	[tilespmem:$0x10400] =	vst v63  }
0x9a: {  	s26 =	sadd.s32 s4, s30;
	s30 =	sand.u32 $0x1FFFFFF0, s31;
	s31 =	spop (v2sf);
	(v2sf) =	vpush v61, $0x6  }
0x9b: {  	[tilespmem:s25], [sflag:$0x2] =	stream.linear.gather [hbm4b:s26+s2], $0x80, $0x38;
	[tilespmem:$0x10400] =	vst v63  }
0x9c: {  	s28 =	spop (v2sf);
	(v2sf) =	vpush v2, $0x7;
	s25 =	sadd.s32 s4, s30;
	s26 =	sand.u32 $0x1FFFFFF0, s31  }
0x9d: {  	[tilespmem:s19], [sflag:$0x3] =	stream.linear.gather [hbm4b:s25+s2], $0x80, $0x38;
	[tilespmem:$0x10400] =	vst v63  }
0x9e: {  	s30 =	sand.u32 $0x1FFFFFF0, s28;
	s29 =	sadd.s32 s4, s26;
	s31 =	spop (v2sf);
	(v2sf) =	vpush v61, $0x7  }
0x9f: {  	[tilespmem:s9], [sflag:$0x3] =	stream.linear.gather [hbm4b:s29+s2], $0x80, $0x38;
	[tilespmem:$0x10400] =	vst v63  }
0xa0: {  	s24 =	sadd.s32 s4, s30;
	s26 =	sand.u32 $0x1FFFFFF0, s31;
	s28 =	spop (v2sf);
	(v2sf) =	vpush v2, $0x8  }
0xa1: {  	[tilespmem:s17], [sflag:$0x4] =	stream.linear.gather [hbm4b:s24+s2], $0x80, $0x38;
	[tilespmem:$0x10400] =	vst v63  }
0xa2: {  	s22 =	sadd.s32 $0x20, s22;
	s29 =	sadd.s32 s4, s26;
	s31 =	spop (v2sf)  }
0xa3: {  	[tilespmem:s14], [sflag:$0x4] =	stream.linear.gather [hbm4b:s29+s2], $0x80, $0x38;
	[tilespmem:$0x10400] =	vst v63  }
0xa4: {  	s23 =	sadd.s32 $0x2, s23;
	s30 =	sand.u32 $0x1FFFFFF0, s28;
	(v2sf) =	vpush v61, $0x8;
	s24 =	spop (v2sf)  }
0xa5: {  	s17 =	sadd.s32 s4, s30;
	s19 =	sand.u32 $0x1FFFFFF0, s31;
	s28 =	spop (v2sf)  }
0xa6: {  	[tilespmem:s13], [sflag:$0x1] =	stream.linear.gather [hbm4b:s17+s2], $0x80, $0x38;
	[tilespmem:$0x10400] =	vst v63  }
0xa7: {  	(v2sf) =	vpush v2, $0x9;
	s25 =	sadd.s32 s4, s19;
	s26 =	sand.u32 $0x1FFFFFF0, s24;
	s31 =	spop (v2sf)  }
0xa8: {  	(v2sf) =	vpush v61, $0x9;
	[tilespmem:s12], [sflag:$0x1] =	stream.linear.gather [hbm4b:s25+s2], $0x80, $0x38;
	[tilespmem:$0x10400] =	vst v63  }
0xa9: {  	s29 =	sadd.s32 s4, s26;
	s30 =	sand.u32 $0x1FFFFFF0, s28;
	s13 =	spop (v2sf)  }
0xaa: {  	(v2sf) =	vpush v2, $0xA;
	[tilespmem:s11], [sflag:$0x2] =	stream.linear.gather [hbm4b:s29+s2], $0x80, $0x38;
	[tilespmem:$0x10400] =	vst v63  }
0xab: {  	s12 =	sand.u32 $0x1FFFFFF0, s31;
	s11 =	sadd.s32 s4, s30;
	s17 =	spop (v2sf)  }
0xac: {  	(v2sf) =	vpush v61, $0xA;
	[tilespmem:s15], [sflag:$0x2] =	stream.linear.gather [hbm4b:s11+s2], $0x80, $0x38;
	[tilespmem:$0x10400] =	vst v63  }
0xad: {  	s14 =	sadd.s32 s4, s12;
	s15 =	sand.u32 $0x1FFFFFF0, s13;
	s24 =	spop (v2sf)  }
0xae: {  	[tilespmem:s18], [sflag:$0x3] =	stream.linear.gather [hbm4b:s14+s2], $0x80, $0x38;
	[tilespmem:$0x10400] =	vst v63  }
0xaf: {  	s19 =	sand.u32 $0x1FFFFFF0, s17;
	s18 =	sadd.s32 s4, s15;
	s28 =	spop (v2sf)  }
0xb0: {  	(v2sf) =	vpush v2, $0xB;
	[tilespmem:s0], [sflag:$0x3] =	stream.linear.gather [hbm4b:s18+s2], $0x80, $0x38;
	[tilespmem:$0x10400] =	vst v63  }
0xb1: {  	p1 =	slt.u32 s23, $0xE;
	s25 =	sadd.s32 s4, s19;
	s26 =	sand.u32 $0x1FFFFFF0, s24  }
0xb2: {  	[tilespmem:s1], [sflag:$0x4] =	stream.linear.gather [hbm4b:s25+s2], $0x80, $0x38;
	[tilespmem:$0x10400] =	vst v63  }
0xb3: {  	s29 =	sadd.s32 s4, s26;
	s30 =	sand.u32 $0x1FFFFFF0, s28;
	s31 =	spop (v2sf)  }
0xb4: {  	s28 =	sld [smem:$0x7F2];
	s0 =	sadd.s32 $0x8580, s20;
	(v2sf) =	vpush v61, $0xB;
	s9 =	sand.u32 $0x1FFFFFF0, s31  }
0xb5: {  	(v2sf) =	vpush v2, $0xC;
	[tilespmem:s3], [sflag:$0x4] =	stream.linear.gather [hbm4b:s29+s2], $0x80, $0x38;
	[tilespmem:$0x10400] =	vst v63  }
0xb6: {  	s11 =	spop (v2sf);
	s3 =	sadd.s32 s4, s30;
	s12 =	sadd.s32 s4, s9  }
0xb7: {  	(v2sf) =	vpush v61, $0xC;
	s13 =	sand.u32 $0x1FFFFFF0, s11;
	s14 =	spop (v2sf);
	s11 =	sld [smem:$0x7F3]  }
0xb8: {  	[tilespmem:s16], [sflag:$0x1] =	stream.linear.gather [hbm4b:s3+s2], $0x80, $0x38;
	[tilespmem:$0x10400] =	vst v63  }
0xb9: {  	(v2sf) =	vpush v2, $0xD;
	s15 =	sadd.s32 s4, s13;
	s17 =	spop (v2sf);
	s16 =	sand.u32 $0x1FFFFFF0, s14  }
0xba: {  	[tilespmem:s8], [sflag:$0x1] =	stream.linear.gather [hbm4b:s12+s2], $0x80, $0x38;
	[tilespmem:$0x10400] =	vst v63  }
0xbb: {  	s19 =	sand.u32 $0x1FFFFFF0, s17;
	s3 =	sadd.s32 $0x8500, s20;
	s24 =	spop (v2sf)  }
0xbc: {  	(v2sf) =	vpush v61, $0xD;
	[tilespmem:s7], [sflag:$0x2] =	stream.linear.gather [hbm4b:s15+s2], $0x80, $0x38;
	[tilespmem:$0x10400] =	vst v63  }
0xbd: {  	s18 =	sadd.s32 s4, s16;
	s1 =	sadd.s32 s4, s19;
	(v2sf) =	vpush v2, $0xE;
	s25 =	sand.u32 $0x1FFFFFF0, s24  }
0xbe: {  	[tilespmem:s6], [sflag:$0x2] =	stream.linear.gather [hbm4b:s18+s2], $0x80, $0x38;
	[tilespmem:$0x10400] =	vst v63  }
0xbf: {  	s19 =	sld [smem:$0x7F5];
	s26 =	sadd.s32 s4, s25;
	s29 =	spop (v2sf)  }
0xc0: {  	[tilespmem:s5], [sflag:$0x3] =	stream.linear.gather [hbm4b:s1+s2], $0x80, $0x38;
	[tilespmem:$0x10400] =	vst v63  }
0xc1: {  	(v2sf) =	vpush v61, $0xE;
	s15 =	sld [smem:$0x7F4];
	s1 =	sadd.s32 $0x580, s20;
	s6 =	sand.u32 $0x1FFFFFF0, s29  }
0xc2: {  	[tilespmem:s28], [sflag:$0x3] =	stream.linear.gather [hbm4b:s26+s2], $0x80, $0x38;
	[tilespmem:$0x10400] =	vst v63  }
0xc3: {  	(v2sf) =	vpush v2, $0xF;
	s5 =	sadd.s32 $0x500, s20;
	s6 =	sadd.s32 s4, s6;
	s30 =	spop (v2sf)  }
0xc4: {  	s28 =	sld [smem:$0x7F6];
	s7 =	sand.u32 $0x1FFFFFF0, s30;
	s31 =	spop (v2sf)  }
0xc5: {  	[tilespmem:s11], [sflag:$0x4] =	stream.linear.gather [hbm4b:s6+s2], $0x80, $0x38;
	[tilespmem:$0x10400] =	vst v63  }
0xc6: {  	s12 =	sadd.s32 s4, s7;
	s13 =	sand.u32 $0x1FFFFFF0, s31;
	s14 =	spop (v2sf)  }
0xc7: {  	(v2sf) =	vpush v61, $0xF;
	[tilespmem:s15], [sflag:$0x4] =	stream.linear.gather [hbm4b:s12+s2], $0x80, $0x38;
	[tilespmem:$0x10400] =	vst v63  }
0xc8: {  	v63 =	vshll.u32 v62, $0x4;
	s11 =	rddreg [dreg:$0x1f];
	s16 =	sadd.s32 s4, s13;
	s18 =	spop (v2sf)  }
0xc9: {  	(v2sf) =	vpush v63, $0x0;
	s17 =	sand.u32 $0x1FFFFFF0, s14;
	s15 =	rddreg [dreg:$0x1e];
	s25 =	sand.u32 $0x1FFFFFF0, s18  }
0xca: {  	(v2sf) =	vpush v0, $0x1;
	[tilespmem:s19], [sflag:$0x1] =	stream.linear.gather [hbm4b:s16+s2], $0x80, $0x38;
	[tilespmem:$0x10400] =	vst v63  }
0xcb: {  	s24 =	sadd.s32 s4, s17;
	s26 =	spop (v2sf);
	s29 =	sadd.s32 s4, s25  }
0xcc: {  	(v2sf) =	vpush v63, $0x1;
	s30 =	sand.u32 $0x1FFFFFF0, s26;
	s19 =	rddreg [dreg:$0x1c];
	s31 =	spop (v2sf)  }
0xcd: {  	(v2sf) =	vpush v0, $0x2;
	[tilespmem:s28], [sflag:$0x1] =	stream.linear.gather [hbm4b:s24+s2], $0x80, $0x38;
	[tilespmem:$0x10400] =	vst v63  }
0xce: {  	s12 =	sadd.s32 s4, s30;
	s30 =	rddreg [dreg:$0x18];
	s13 =	sand.u32 $0x1FFFFFF0, s31  }
0xcf: {  	(v2sf) =	vpush v63, $0x2;
	[tilespmem:s11], [sflag:$0x2] =	stream.linear.gather [hbm4b:s29+s2], $0x80, $0x38;
	[tilespmem:$0x10400] =	vst v63  }
0xd0: {  	s14 =	spop (v2sf);
	s28 =	rddreg [dreg:$0x1a];
	s31 =	sadd.s32 $0x480, s20  }
0xd1: {  	(v2sf) =	vpush v0, $0x3;
	[tilespmem:s15], [sflag:$0x2] =	stream.linear.gather [hbm4b:s12+s2], $0x80, $0x38;
	[tilespmem:$0x10400] =	vst v63  }
0xd2: {  	s16 =	sadd.s32 s4, s13;
	s17 =	sand.u32 $0x1FFFFFF0, s14;
	s18 =	spop (v2sf)  }
0xd3: {  	[tilespmem:s19], [sflag:$0x3] =	stream.linear.gather [hbm4b:s16+s2], $0x80, $0x38;
	[tilespmem:$0x10400] =	vst v63  }
0xd4: {  	s14 =	rddreg [dreg:$0x16];
	s24 =	sadd.s32 s4, s17;
	s25 =	sand.u32 $0x1FFFFFF0, s18  }
0xd5: {  	(v2sf) =	vpush v63, $0x3;
	[tilespmem:s28], [sflag:$0x3] =	stream.linear.gather [hbm4b:s24+s2], $0x80, $0x38;
	[tilespmem:$0x10400] =	vst v63  }
0xd6: {  	s29 =	sadd.s32 $0x8480, s20;
	s7 =	sadd.s32 s4, s25;
	s26 =	spop (v2sf)  }
0xd7: {  	(v2sf) =	vpush v0, $0x4;
	[tilespmem:s30], [sflag:$0x4] =	stream.linear.gather [hbm4b:s7+s2], $0x80, $0x38;
	[tilespmem:$0x10400] =	vst v63  }
0xd8: {  	s15 =	sadd.s32 $0x8400, s20;
	s8 =	sand.u32 $0x1FFFFFF0, s26;
	s13 =	spop (v2sf)  }
0xd9: {  	s8 =	sadd.s32 s4, s8;
	s9 =	sand.u32 $0x1FFFFFF0, s13;
	s16 =	spop (v2sf)  }
0xda: {  	(v2sf) =	vpush v63, $0x4;
	[tilespmem:s14], [sflag:$0x4] =	stream.linear.gather [hbm4b:s8+s2], $0x80, $0x38;
	[tilespmem:$0x10400] =	vst v63  }
0xdb: {  	s9 =	sadd.s32 s4, s9;
	s11 =	sand.u32 $0x1FFFFFF0, s16;
	s17 =	spop (v2sf)  }
0xdc: {  	(v2sf) =	vpush v0, $0x5;
	s8 =	rddreg [dreg:$0x11];
	s19 =	sand.u32 $0x1FFFFFF0, s17;
	s24 =	spop (v2sf)  }
0xdd: {  	(v2sf) =	vpush v63, $0x5;
	[tilespmem:s15], [sflag:$0x1] =	stream.linear.gather [hbm4b:s9+s2], $0x80, $0x38;
	[tilespmem:$0x10400] =	vst v63  }
0xde: {  	s18 =	sadd.s32 s4, s11;
	s25 =	sadd.s32 s4, s19;
	s28 =	spop (v2sf)  }
0xdf: {  	(v2sf) =	vpush v0, $0x6;
	[tilespmem:s31], [sflag:$0x2] =	stream.linear.gather [hbm4b:s18+s2], $0x80, $0x38;
	[tilespmem:$0x10400] =	vst v63  }
0xe0: {  	s26 =	sand.u32 $0x1FFFFFF0, s24;
	(v2sf) =	vpush v63, $0x6;
	s30 =	sand.u32 $0x1FFFFFF0, s28;
	s31 =	spop (v2sf)  }
0xe1: {  	[tilespmem:s29], [sflag:$0x2] =	stream.linear.gather [hbm4b:s25+s2], $0x80, $0x38;
	[tilespmem:$0x10400] =	vst v63  }
0xe2: {  	s9 =	sadd.s32 s4, s30;
	s11 =	sand.u32 $0x1FFFFFF0, s31;
	s29 =	sadd.s32 s4, s26  }
0xe3: {  	[tilespmem:s5], [sflag:$0x3] =	stream.linear.gather [hbm4b:s29+s2], $0x80, $0x38;
	[tilespmem:$0x10400] =	vst v63  }
0xe4: {  	(v2sf) =	vpush v0, $0x7;
	s12 =	spop (v2sf);
	s31 =	rddreg [dreg:$0x1b];
	s13 =	sadd.s32 s4, s11  }
0xe5: {  	[tilespmem:s3], [sflag:$0x3] =	stream.linear.gather [hbm4b:s9+s2], $0x80, $0x38;
	[tilespmem:$0x10400] =	vst v63  }
0xe6: {  	(v2sf) =	vpush v63, $0x7;
	s14 =	sand.u32 $0x1FFFFFF0, s12;
	s26 =	rddreg [dreg:$0x1d];
	s15 =	spop (v2sf)  }
0xe7: {  	[tilespmem:s1], [sflag:$0x4] =	stream.linear.gather [hbm4b:s13+s2], $0x80, $0x38;
	[tilespmem:$0x10400] =	vst v63  }
0xe8: {  	s16 =	sadd.s32 s4, s14;
	s14 =	rddreg [dreg:$0x17];
	s17 =	sand.u32 $0x1FFFFFF0, s15  }
0xe9: {  	s9 =	rddreg [dreg:$0x19];
	s18 =	spop (v2sf);
	s19 =	sadd.s32 s4, s17  }
0xea: {  	(v2sf) =	vpush v0, $0x8;
	[tilespmem:s0], [sflag:$0x4] =	stream.linear.gather [hbm4b:s16+s2], $0x80, $0x38;
	[tilespmem:$0x10400] =	vst v63  }
0xeb: {  	s24 =	sand.u32 $0x1FFFFFF0, s18;
	s25 =	spop (v2sf);
	s18 =	rddreg [dreg:$0x15]  }
0xec: {  	(v2sf) =	vpush v63, $0x8;
	s28 =	sadd.s32 s4, s24;
	s29 =	sand.u32 $0x1FFFFFF0, s25;
	s30 =	spop (v2sf)  }
0xed: {  	(v2sf) =	vpush v0, $0x9;
	[tilespmem:s26], [sflag:$0x1] =	stream.linear.gather [hbm4b:s19+s2], $0x80, $0x38;
	[tilespmem:$0x10400] =	vst v63  }
0xee: {  	s5 =	sadd.s32 s4, s29;
	s6 =	sand.u32 $0x1FFFFFF0, s30;
	s7 =	spop (v2sf)  }
0xef: {  	(v2sf) =	vpush v63, $0x9;
	s26 =	rddreg [dreg:$0x14];
	s12 =	sand.u32 $0x1FFFFFF0, s7;
	s13 =	spop (v2sf)  }
0xf0: {  	(v2sf) =	vpush v0, $0xA;
	[tilespmem:s31], [sflag:$0x1] =	stream.linear.gather [hbm4b:s28+s2], $0x80, $0x38;
	[tilespmem:$0x10400] =	vst v63  }
0xf1: {  	s11 =	sadd.s32 s4, s6;
	s15 =	sadd.s32 s4, s12;
	s16 =	sand.u32 $0x1FFFFFF0, s13  }
0xf2: {  	(v2sf) =	vpush v63, $0xA;
	[tilespmem:s9], [sflag:$0x2] =	stream.linear.gather [hbm4b:s5+s2], $0x80, $0x38;
	[tilespmem:$0x10400] =	vst v63  }
0xf3: {  	s31 =	rddreg [dreg:$0x13];
	s17 =	spop (v2sf);
	s19 =	sadd.s32 s4, s16  }
0xf4: {  	[tilespmem:s14], [sflag:$0x2] =	stream.linear.gather [hbm4b:s11+s2], $0x80, $0x38;
	[tilespmem:$0x10400] =	vst v63  }
0xf5: {  	(v2sf) =	vpush v0, $0xB;
	s24 =	sand.u32 $0x1FFFFFF0, s17;
	s25 =	spop (v2sf);
	s9 =	rddreg [dreg:$0x12]  }
0xf6: {  	[tilespmem:s18], [sflag:$0x3] =	stream.linear.gather [hbm4b:s15+s2], $0x80, $0x38;
	[tilespmem:$0x10400] =	vst v63  }
0xf7: {  	(v2sf) =	vpush v63, $0xB;
	s28 =	sadd.s32 s4, s24;
	s29 =	sand.u32 $0x1FFFFFF0, s25;
	s14 =	rddreg [dreg:$0x10]  }
0xf8: {  	[tilespmem:s26], [sflag:$0x3] =	stream.linear.gather [hbm4b:s19+s2], $0x80, $0x38;
	[tilespmem:$0x10400] =	vst v63  }
0xf9: {  	s5 =	sadd.s32 s4, s29;
	s18 =	rddreg [dreg:$0xf];
	s30 =	spop (v2sf)  }
0xfa: {  	[tilespmem:s31], [sflag:$0x4] =	stream.linear.gather [hbm4b:s28+s2], $0x80, $0x38;
	[tilespmem:$0x10400] =	vst v63  }
0xfb: {  	(v2sf) =	vpush v0, $0xC;
	s26 =	rddreg [dreg:$0xe];
	s6 =	sand.u32 $0x1FFFFFF0, s30;
	s7 =	spop (v2sf)  }
0xfc: {  	s11 =	sadd.s32 s4, s6;
	s12 =	sand.u32 $0x1FFFFFF0, s7;
	s13 =	spop (v2sf)  }
0xfd: {  	(v2sf) =	vpush v63, $0xC;
	[tilespmem:s9], [sflag:$0x4] =	stream.linear.gather [hbm4b:s5+s2], $0x80, $0x38;
	[tilespmem:$0x10400] =	vst v63  }
0xfe: {  	s31 =	rddreg [dreg:$0xd];
	s15 =	sadd.s32 s4, s12;
	s17 =	spop (v2sf)  }
0xff: {  	s16 =	sand.u32 $0x1FFFFFF0, s13;
	s24 =	sand.u32 $0x1FFFFFF0, s17;
	s25 =	spop (v2sf)  }
0x100: {  	[tilespmem:s14], [sflag:$0x1] =	stream.linear.gather [hbm4b:s11+s2], $0x80, $0x38;
	[tilespmem:$0x10400] =	vst v63  }
0x101: {  	(v2sf) =	vpush v0, $0xD;
	s19 =	sadd.s32 s4, s16;
	s28 =	sadd.s32 s4, s24;
	s30 =	spop (v2sf)  }
0x102: {  	s29 =	sand.u32 $0x1FFFFFF0, s25;
	s11 =	rddreg [dreg:$0xc];
	s7 =	sand.u32 $0x1FFFFFF0, s30  }
0x103: {  	(v2sf) =	vpush v63, $0xD;
	[tilespmem:s18], [sflag:$0x1] =	stream.linear.gather [hbm4b:s15+s2], $0x80, $0x38;
	[tilespmem:$0x10400] =	vst v63  }
0x104: {  	s6 =	sadd.s32 s4, s29;
	s9 =	spop (v2sf);
	s12 =	sadd.s32 s4, s7  }
0x105: {  	(v2sf) =	vpush v0, $0xE;
	[tilespmem:s26], [sflag:$0x2] =	stream.linear.gather [hbm4b:s19+s2], $0x80, $0x38;
	[tilespmem:$0x10400] =	vst v63  }
0x106: {  	s15 =	rddreg [dreg:$0xb];
	s13 =	sand.u32 $0x1FFFFFF0, s9;
	s14 =	spop (v2sf)  }
0x107: {  	[tilespmem:s31], [sflag:$0x2] =	stream.linear.gather [hbm4b:s28+s2], $0x80, $0x38;
	[tilespmem:$0x10400] =	vst v63  }
0x108: {  	s16 =	sadd.s32 s4, s13;
	s17 =	sand.u32 $0x1FFFFFF0, s14;
	s19 =	rddreg [dreg:$0xa]  }
0x109: {  	(v2sf) =	vpush v63, $0xE;
	[tilespmem:s11], [sflag:$0x3] =	stream.linear.gather [hbm4b:s6+s2], $0x80, $0x38;
	[tilespmem:$0x10400] =	vst v63  }
0x10a: {  	(v2sf) =	vpush v0, $0xF;
	s24 =	sadd.s32 s4, s17;
	s28 =	rddreg [dreg:$0x9];
	s18 =	spop (v2sf)  }
0x10b: {  	[tilespmem:s15], [sflag:$0x3] =	stream.linear.gather [hbm4b:s12+s2], $0x80, $0x38;
	[tilespmem:$0x10400] =	vst v63  }
0x10c: {  	(v2sf) =	vpush v63, $0xF;
	s6 =	rddreg [dreg:$0x8];
	s25 =	sand.u32 $0x1FFFFFF0, s18;
	s26 =	spop (v2sf)  }
0x10d: {  	[tilespmem:s19], [sflag:$0x4] =	stream.linear.gather [hbm4b:s16+s2], $0x80, $0x38;
	[tilespmem:$0x10400] =	vst v63  }
0x10e: {  	s12 =	rddreg [dreg:$0x7];
	s29 =	sadd.s32 s4, s25;
	s30 =	sand.u32 $0x1FFFFFF0, s26  }
0x10f: {  	[tilespmem:s28], [sflag:$0x4] =	stream.linear.gather [hbm4b:s24+s2], $0x80, $0x38;
	[tilespmem:$0x10400] =	vst v63  }
0x110: {  	s31 =	spop (v2sf);
	s16 =	rddreg [dreg:$0x6];
	s7 =	sadd.s32 s4, s30  }
0x111: {  	[tilespmem:s6], [sflag:$0x1] =	stream.linear.gather [hbm4b:s29+s2], $0x80, $0x38;
	[tilespmem:$0x10400] =	vst v63  }
0x112: {  	s9 =	sand.u32 $0x1FFFFFF0, s31;
	s11 =	spop (v2sf);
	s31 =	rddreg [dreg:$0x3]  }
0x113: {  	[tilespmem:s12], [sflag:$0x1] =	stream.linear.gather [hbm4b:s7+s2], $0x80, $0x38;
	[tilespmem:$0x10400] =	vst v63  }
0x114: {  	s13 =	sadd.s32 s4, s9;
	s14 =	sand.u32 $0x1FFFFFF0, s11;
	s15 =	spop (v2sf)  }
0x115: {  	[tilespmem:s16], [sflag:$0x2] =	stream.linear.gather [hbm4b:s13+s2], $0x80, $0x38;
	[tilespmem:$0x10400] =	vst v63  }
0x116: {  	s24 =	rddreg [dreg:$0x5];
	s17 =	sadd.s32 s4, s14;
	s18 =	sand.u32 $0x1FFFFFF0, s15  }
0x117: {  	[tilespmem:s24], [sflag:$0x2] =	stream.linear.gather [hbm4b:s17+s2], $0x80, $0x38;
	[tilespmem:$0x10400] =	vst v63  }
.Ltmp0:
0x118: {  	s19 =	spop (v2sf);
	s25 =	sadd.s32 s4, s18;
	(pc) =	sbr.rel @p1 .LBB2_3-.Ltmp0, $4  }
0x119: {  	s26 =	sand.u32 $0x1FFFFFF0, s19;
	s29 =	rddreg [dreg:$0x4];
	s28 =	spop (v2sf)  }
0x11a: {  	[tilespmem:s29], [sflag:$0x3] =	stream.linear.gather [hbm4b:s25+s2], $0x80, $0x38;
	[tilespmem:$0x10400] =	vst v63  }
0x11b: {  	s30 =	sadd.s32 s4, s26;
	s1 =	sand.u32 $0x1FFFFFF0, s28;
	s0 =	spop (v2sf)  }
0x11c: {  	[tilespmem:s31], [sflag:$0x3] =	stream.linear.gather [hbm4b:s30+s2], $0x80, $0x38;
	[tilespmem:$0x10400] =	vst v63  }
0x11d: {  	s3 =	sadd.s32 $0xB80, s20;
	s1 =	sadd.s32 s4, s1;
	s0 =	sand.u32 $0x1FFFFFF0, s0  }
0x11e: {  	[tilespmem:s3], [sflag:$0x4] =	stream.linear.gather [hbm4b:s1+s2], $0x80, $0x38;
	[tilespmem:$0x10400] =	vst v63  }
0x11f: {  	s13 =	sadd.s32 $0x8B80, s20;
	s0 =	sadd.s32 s4, s0  }
0x120: {  	[tilespmem:s13], [sflag:$0x4] =	stream.linear.gather [hbm4b:s0+s2], $0x80, $0x38;
	[tilespmem:$0x10400] =	vst v63  }
0x121: {  	v0 =	vld [tilespmem:s8+$0x0];
	_ =	sdelay $0x1  }
0x122: {  	v2 =	vld [tilespmem:s10+$0x0];
	_ =	sdelay $0x2  }
0x123: {  	v1 =	vshll.u32 v0, $0x4  }
0x124: {  	(v2sf) =	vpush v1, $0x0  }
0x125: {  	v0 =	vshll.u32 v2, $0x4  }
0x126: {  	(v2sf) =	vpush v0, $0x0;
	_ =	sdelay $0x1  }
0x127: {  	(v2sf) =	vpush v1, $0x1;
	_ =	sdelay $0x2  }
0x128: {  	(v2sf) =	vpush v0, $0x1;
	_ =	sdelay $0x7  }
0x129: {  	s14 =	spop (v2sf);
	(v2sf) =	vpush v1, $0x2;
	_ =	sdelay $0x1  }
0x12a: {  	s16 =	spop (v2sf);
	(v2sf) =	vpush v0, $0x2;
	_ =	sdelay $0x1  }
0x12b: {  	s18 =	spop (v2sf);
	(v2sf) =	vpush v1, $0x3;
	_ =	sdelay $0x2  }
0x12c: {  	s21 =	spop (v2sf);
	(v2sf) =	vpush v0, $0x3;
	_ =	sdelay $0x4  }
0x12d: {  	s0 =	sand.u32 $0x1FFFFFF0, s14  }
0x12e: {  	s15 =	sadd.s32 $0xC00, s20;
	s0 =	sadd.s32 s4, s0  }
0x12f: {  	[tilespmem:s15], [sflag:$0x1] =	stream.linear.gather [hbm4b:s0+s2], $0x80, $0x38;
	[tilespmem:$0x10400] =	vst v63  }
0x130: {  	s23 =	spop (v2sf);
	(v2sf) =	vpush v1, $0x4  }
0x131: {  	s0 =	sand.u32 $0x1FFFFFF0, s16  }
0x132: {  	s17 =	sadd.s32 $0x8C00, s20;
	s0 =	sadd.s32 s4, s0;
	s25 =	spop (v2sf);
	(v2sf) =	vpush v0, $0x4  }
0x133: {  	[tilespmem:s17], [sflag:$0x1] =	stream.linear.gather [hbm4b:s0+s2], $0x80, $0x38;
	[tilespmem:$0x10400] =	vst v63  }
0x134: {  	s0 =	sand.u32 $0x1FFFFFF0, s18;
	s28 =	spop (v2sf);
	(v2sf) =	vpush v1, $0x5  }
0x135: {  	s19 =	sadd.s32 $0xC80, s20;
	s0 =	sadd.s32 s4, s0  }
0x136: {  	[tilespmem:s19], [sflag:$0x2] =	stream.linear.gather [hbm4b:s0+s2], $0x80, $0x38;
	[tilespmem:$0x10400] =	vst v63  }
0x137: {  	s30 =	spop (v2sf);
	(v2sf) =	vpush v0, $0x5  }
0x138: {  	s0 =	sand.u32 $0x1FFFFFF0, s21  }
0x139: {  	s22 =	sadd.s32 $0x8C80, s20;
	s0 =	sadd.s32 s4, s0  }
0x13a: {  	[tilespmem:s22], [sflag:$0x2] =	stream.linear.gather [hbm4b:s0+s2], $0x80, $0x38;
	[tilespmem:$0x10400] =	vst v63  }
0x13b: {  	s0 =	sand.u32 $0x1FFFFFF0, s23  }
0x13c: {  	s24 =	sadd.s32 $0xD00, s20;
	s0 =	sadd.s32 s4, s0  }
0x13d: {  	[tilespmem:s24], [sflag:$0x3] =	stream.linear.gather [hbm4b:s0+s2], $0x80, $0x38;
	[tilespmem:$0x10400] =	vst v63  }
0x13e: {  	s0 =	sand.u32 $0x1FFFFFF0, s25  }
0x13f: {  	s26 =	sadd.s32 $0x8D00, s20;
	s0 =	sadd.s32 s4, s0;
	s3 =	spop (v2sf);
	(v2sf) =	vpush v1, $0x6  }
0x140: {  	[tilespmem:s26], [sflag:$0x3] =	stream.linear.gather [hbm4b:s0+s2], $0x80, $0x38;
	[tilespmem:$0x10400] =	vst v63  }
0x141: {  	s6 =	spop (v2sf);
	(v2sf) =	vpush v0, $0x6  }
0x142: {  	s0 =	sand.u32 $0x1FFFFFF0, s28  }
0x143: {  	s29 =	sadd.s32 $0xD80, s20;
	s0 =	sadd.s32 s4, s0;
	s8 =	spop (v2sf);
	(v2sf) =	vpush v1, $0x7  }
0x144: {  	[tilespmem:s29], [sflag:$0x4] =	stream.linear.gather [hbm4b:s0+s2], $0x80, $0x38;
	[tilespmem:$0x10400] =	vst v63  }
0x145: {  	s0 =	sand.u32 $0x1FFFFFF0, s30  }
0x146: {  	s31 =	sadd.s32 $0x8D80, s20;
	s0 =	sadd.s32 s4, s0;
	s10 =	spop (v2sf);
	(v2sf) =	vpush v0, $0x7  }
0x147: {  	[tilespmem:s31], [sflag:$0x4] =	stream.linear.gather [hbm4b:s0+s2], $0x80, $0x38;
	[tilespmem:$0x10400] =	vst v63  }
0x148: {  	s0 =	sand.u32 $0x1FFFFFF0, s3  }
0x149: {  	s5 =	sadd.s32 $0xE00, s20;
	s0 =	sadd.s32 s4, s0  }
0x14a: {  	[tilespmem:s5], [sflag:$0x1] =	stream.linear.gather [hbm4b:s0+s2], $0x80, $0x38;
	[tilespmem:$0x10400] =	vst v63  }
0x14b: {  	s0 =	sand.u32 $0x1FFFFFF0, s6  }
0x14c: {  	s7 =	sadd.s32 $0x8E00, s20;
	s0 =	sadd.s32 s4, s0  }
0x14d: {  	[tilespmem:s7], [sflag:$0x1] =	stream.linear.gather [hbm4b:s0+s2], $0x80, $0x38;
	[tilespmem:$0x10400] =	vst v63  }
0x14e: {  	s12 =	spop (v2sf);
	(v2sf) =	vpush v1, $0x8  }
0x14f: {  	s0 =	sand.u32 $0x1FFFFFF0, s8  }
0x150: {  	s9 =	sadd.s32 $0xE80, s20;
	s0 =	sadd.s32 s4, s0;
	s14 =	spop (v2sf);
	(v2sf) =	vpush v0, $0x8  }
0x151: {  	[tilespmem:s9], [sflag:$0x2] =	stream.linear.gather [hbm4b:s0+s2], $0x80, $0x38;
	[tilespmem:$0x10400] =	vst v63  }
0x152: {  	s0 =	sand.u32 $0x1FFFFFF0, s10;
	s16 =	spop (v2sf);
	(v2sf) =	vpush v1, $0x9  }
0x153: {  	s11 =	sadd.s32 $0x8E80, s20;
	s0 =	sadd.s32 s4, s0  }
0x154: {  	[tilespmem:s11], [sflag:$0x2] =	stream.linear.gather [hbm4b:s0+s2], $0x80, $0x38;
	[tilespmem:$0x10400] =	vst v63  }
0x155: {  	s18 =	spop (v2sf);
	(v2sf) =	vpush v0, $0x9  }
0x156: {  	s0 =	sand.u32 $0x1FFFFFF0, s12  }
0x157: {  	s13 =	sadd.s32 $0xF00, s20;
	s0 =	sadd.s32 s4, s0  }
0x158: {  	[tilespmem:s13], [sflag:$0x3] =	stream.linear.gather [hbm4b:s0+s2], $0x80, $0x38;
	[tilespmem:$0x10400] =	vst v63  }
0x159: {  	s0 =	sand.u32 $0x1FFFFFF0, s14  }
0x15a: {  	s15 =	sadd.s32 $0x8F00, s20;
	s0 =	sadd.s32 s4, s0  }
0x15b: {  	[tilespmem:s15], [sflag:$0x3] =	stream.linear.gather [hbm4b:s0+s2], $0x80, $0x38;
	[tilespmem:$0x10400] =	vst v63  }
0x15c: {  	s0 =	sand.u32 $0x1FFFFFF0, s16  }
0x15d: {  	s17 =	sadd.s32 $0xF80, s20;
	s0 =	sadd.s32 s4, s0;
	s21 =	spop (v2sf);
	(v2sf) =	vpush v1, $0xA  }
0x15e: {  	[tilespmem:s17], [sflag:$0x4] =	stream.linear.gather [hbm4b:s0+s2], $0x80, $0x38;
	[tilespmem:$0x10400] =	vst v63  }
0x15f: {  	s23 =	spop (v2sf);
	(v2sf) =	vpush v0, $0xA  }
0x160: {  	s0 =	sand.u32 $0x1FFFFFF0, s18  }
0x161: {  	s19 =	sadd.s32 $0x8F80, s20;
	s0 =	sadd.s32 s4, s0;
	s25 =	spop (v2sf);
	(v2sf) =	vpush v1, $0xB  }
0x162: {  	[tilespmem:s19], [sflag:$0x4] =	stream.linear.gather [hbm4b:s0+s2], $0x80, $0x38;
	[tilespmem:$0x10400] =	vst v63  }
0x163: {  	s0 =	sand.u32 $0x1FFFFFF0, s21  }
0x164: {  	s22 =	sadd.s32 $0x1000, s20;
	s0 =	sadd.s32 s4, s0;
	s28 =	spop (v2sf);
	(v2sf) =	vpush v0, $0xB  }
0x165: {  	[tilespmem:s22], [sflag:$0x1] =	stream.linear.gather [hbm4b:s0+s2], $0x80, $0x38;
	[tilespmem:$0x10400] =	vst v63  }
0x166: {  	s0 =	sand.u32 $0x1FFFFFF0, s23  }
0x167: {  	s24 =	sadd.s32 $0x9000, s20;
	s0 =	sadd.s32 s4, s0  }
0x168: {  	[tilespmem:s24], [sflag:$0x1] =	stream.linear.gather [hbm4b:s0+s2], $0x80, $0x38;
	[tilespmem:$0x10400] =	vst v63  }
0x169: {  	s0 =	sand.u32 $0x1FFFFFF0, s25  }
0x16a: {  	s26 =	sadd.s32 $0x1080, s20;
	s0 =	sadd.s32 s4, s0  }
0x16b: {  	[tilespmem:s26], [sflag:$0x2] =	stream.linear.gather [hbm4b:s0+s2], $0x80, $0x38;
	[tilespmem:$0x10400] =	vst v63  }
0x16c: {  	s30 =	spop (v2sf);
	(v2sf) =	vpush v1, $0xC  }
0x16d: {  	s0 =	sand.u32 $0x1FFFFFF0, s28  }
0x16e: {  	s29 =	sadd.s32 $0x9080, s20;
	s0 =	sadd.s32 s4, s0;
	s3 =	spop (v2sf);
	(v2sf) =	vpush v0, $0xC  }
0x16f: {  	[tilespmem:s29], [sflag:$0x2] =	stream.linear.gather [hbm4b:s0+s2], $0x80, $0x38;
	[tilespmem:$0x10400] =	vst v63  }
0x170: {  	s0 =	sand.u32 $0x1FFFFFF0, s30;
	s6 =	spop (v2sf);
	(v2sf) =	vpush v1, $0xD  }
0x171: {  	s31 =	sadd.s32 $0x1100, s20;
	s0 =	sadd.s32 s4, s0  }
0x172: {  	[tilespmem:s31], [sflag:$0x3] =	stream.linear.gather [hbm4b:s0+s2], $0x80, $0x38;
	[tilespmem:$0x10400] =	vst v63  }
0x173: {  	s8 =	spop (v2sf);
	(v2sf) =	vpush v0, $0xD  }
0x174: {  	s0 =	sand.u32 $0x1FFFFFF0, s3  }
0x175: {  	s5 =	sadd.s32 $0x9100, s20;
	s0 =	sadd.s32 s4, s0  }
0x176: {  	[tilespmem:s5], [sflag:$0x3] =	stream.linear.gather [hbm4b:s0+s2], $0x80, $0x38;
	[tilespmem:$0x10400] =	vst v63  }
0x177: {  	s0 =	sand.u32 $0x1FFFFFF0, s6  }
0x178: {  	s7 =	sadd.s32 $0x1180, s20;
	s0 =	sadd.s32 s4, s0  }
0x179: {  	[tilespmem:s7], [sflag:$0x4] =	stream.linear.gather [hbm4b:s0+s2], $0x80, $0x38;
	[tilespmem:$0x10400] =	vst v63  }
0x17a: {  	s0 =	sand.u32 $0x1FFFFFF0, s8  }
0x17b: {  	s9 =	sadd.s32 $0x9180, s20;
	s0 =	sadd.s32 s4, s0;
	s10 =	spop (v2sf);
	(v2sf) =	vpush v1, $0xE  }
0x17c: {  	[tilespmem:s9], [sflag:$0x4] =	stream.linear.gather [hbm4b:s0+s2], $0x80, $0x38;
	[tilespmem:$0x10400] =	vst v63  }
0x17d: {  	s12 =	spop (v2sf);
	(v2sf) =	vpush v0, $0xE  }
0x17e: {  	s0 =	sand.u32 $0x1FFFFFF0, s10  }
0x17f: {  	s11 =	sadd.s32 $0x1200, s20;
	s0 =	sadd.s32 s4, s0;
	s14 =	spop (v2sf)  }
0x180: {  	(v2sf) =	vpush v1, $0xF;
	[tilespmem:s11], [sflag:$0x1] =	stream.linear.gather [hbm4b:s0+s2], $0x80, $0x38;
	[tilespmem:$0x10400] =	vst v63  }
0x181: {  	s0 =	sand.u32 $0x1FFFFFF0, s12  }
0x182: {  	s13 =	sadd.s32 $0x9200, s20;
	s16 =	spop (v2sf);
	s0 =	sadd.s32 s4, s0  }
0x183: {  	(v2sf) =	vpush v0, $0xF;
	[tilespmem:s13], [sflag:$0x1] =	stream.linear.gather [hbm4b:s0+s2], $0x80, $0x38;
	[tilespmem:$0x10400] =	vst v63  }
0x184: {  	s0 =	sand.u32 $0x1FFFFFF0, s14  }
0x185: {  	s15 =	sadd.s32 $0x1280, s20;
	s0 =	sadd.s32 s4, s0  }
0x186: {  	[tilespmem:s15], [sflag:$0x2] =	stream.linear.gather [hbm4b:s0+s2], $0x80, $0x38;
	[tilespmem:$0x10400] =	vst v63  }
0x187: {  	s0 =	sand.u32 $0x1FFFFFF0, s16  }
0x188: {  	s17 =	sadd.s32 $0x9280, s20;
	s0 =	sadd.s32 s4, s0  }
0x189: {  	[tilespmem:s17], [sflag:$0x2] =	stream.linear.gather [hbm4b:s0+s2], $0x80, $0x38;
	[tilespmem:$0x10400] =	vst v63  }
0x18a: {  	s18 =	spop (v2sf)  }
0x18b: {  	s0 =	sand.u32 $0x1FFFFFF0, s18  }
0x18c: {  	s19 =	sadd.s32 $0x1300, s20;
	s21 =	spop (v2sf);
	s0 =	sadd.s32 s4, s0  }
0x18d: {  	[tilespmem:s19], [sflag:$0x3] =	stream.linear.gather [hbm4b:s0+s2], $0x80, $0x38;
	[tilespmem:$0x10400] =	vst v63  }
0x18e: {  	s0 =	sand.u32 $0x1FFFFFF0, s21  }
0x18f: {  	s22 =	sadd.s32 $0x9300, s20;
	s23 =	spop (v2sf);
	s0 =	sadd.s32 s4, s0  }
0x190: {  	[tilespmem:s22], [sflag:$0x3] =	stream.linear.gather [hbm4b:s0+s2], $0x80, $0x38;
	[tilespmem:$0x10400] =	vst v63  }
0x191: {  	s0 =	sand.u32 $0x1FFFFFF0, s23  }
0x192: {  	s24 =	sadd.s32 $0x1380, s20;
	s25 =	spop (v2sf);
	s0 =	sadd.s32 s4, s0  }
0x193: {  	[tilespmem:s24], [sflag:$0x4] =	stream.linear.gather [hbm4b:s0+s2], $0x80, $0x38;
	[tilespmem:$0x10400] =	vst v63  }
0x194: {  	s0 =	sand.u32 $0x1FFFFFF0, s25  }
0x195: {  	s26 =	sadd.s32 $0x9380, s20;
	s28 =	simm.s32 $0x1;
	s0 =	sadd.s32 s4, s0  }
0x196: {  	[tilespmem:s26], [sflag:$0x4] =	stream.linear.gather [hbm4b:s0+s2], $0x80, $0x38;
	[tilespmem:$0x10400] =	vst v63  }
0x197: {  	_ =	swait.ge [sflag:s28], $0x2000  }
0x198: {  	[sflag:s28] =	ssyncset.done $0x0  }
0x199: {  	[sflag:s28] =	ssyncadd.s32 $0xFFFFE000  }
0x19a: {  	_ =	swait.ge [sflag:s28], $0x2000  }
0x19b: {  	[sflag:s28] =	ssyncset.done $0x0  }
0x19c: {  	s29 =	simm.s32 $0x2;
	[sflag:s28] =	ssyncadd.s32 $0xFFFFE000  }
0x19d: {  	_ =	swait.ge [sflag:s29], $0x2000  }
0x19e: {  	[sflag:s29] =	ssyncset.done $0x0  }
0x19f: {  	[sflag:s29] =	ssyncadd.s32 $0xFFFFE000  }
0x1a0: {  	_ =	swait.ge [sflag:s29], $0x2000  }
0x1a1: {  	[sflag:s29] =	ssyncset.done $0x0  }
0x1a2: {  	s30 =	simm.s32 $0x3;
	[sflag:s29] =	ssyncadd.s32 $0xFFFFE000  }
0x1a3: {  	_ =	swait.ge [sflag:s30], $0x2000  }
0x1a4: {  	[sflag:s30] =	ssyncset.done $0x0  }
0x1a5: {  	[sflag:s30] =	ssyncadd.s32 $0xFFFFE000  }
0x1a6: {  	_ =	swait.ge [sflag:s30], $0x2000  }
0x1a7: {  	[sflag:s30] =	ssyncset.done $0x0  }
0x1a8: {  	s31 =	simm.s32 $0x4;
	[sflag:s30] =	ssyncadd.s32 $0xFFFFE000  }
0x1a9: {  	_ =	swait.ge [sflag:s31], $0x2000  }
0x1aa: {  	[sflag:s31] =	ssyncset.done $0x0  }
0x1ab: {  	[sflag:s31] =	ssyncadd.s32 $0xFFFFE000  }
0x1ac: {  	_ =	swait.ge [sflag:s31], $0x2000  }
0x1ad: {  	[sflag:s31] =	ssyncset.done $0x0  }
0x1ae: {  	s0 =	simm.s32 $0x0;
	[sflag:s31] =	ssyncadd.s32 $0xFFFFE000  }
0x1af: {  	v5 =	vld [tilespmem:s0+$0x8400]  }
0x1b0: {  	v6 =	vld [tilespmem:s0+$0x8410]  }
0x1b1: {  	v1 =	vld [tilespmem:s0+$0x8420]  }
0x1b2: {  	v0 =	vld [tilespmem:s0+$0x8430]  }
0x1b3: {  	v2 =	vld [tilespmem:s0+$0x400]  }
0x1b4: {  	v4 =	vld [tilespmem:s0+$0x410]  }
0x1b5: {  	s1 =	simm.s32 $0x200;
	v3 =	vld [tilespmem:s0+$0x420]  }
.LBB2_5:
0x1b6: {  	s3 =	sshra.s32 s1, $0x2;
	p1 =	sne.s32 s1, $0x1FE00;
	v7 =	vld [tilespmem:s0+$0x430];
	v8 =	vmov v1  }
0x1b7: {  	v9 =	vld [tilespmem:s3+$0x8400];
	v10 =	vmov v0  }
0x1b8: {  	v11 =	vld [tilespmem:s3+$0x8410];
	v2 =	vmul.f32 v5, v2  }
.Ltmp1:
0x1b9: {  	v1 =	vld [tilespmem:s3+$0x8420];
	v4 =	vmul.f32 v6, v4;
	(pc) =	sbr.rel @p1 .LBB2_5-.Ltmp1, $4  }
0x1ba: {  	v0 =	vld [tilespmem:s3+$0x8430];
	[tilespmem:s0+$0x400] =	vst v2;
	v3 =	vmul.f32 v8, v3  }
0x1bb: {  	v2 =	vld [tilespmem:s3+$0x400];
	[tilespmem:s0+$0x410] =	vst v4;
	v7 =	vmul.f32 v10, v7  }
0x1bc: {  	v4 =	vld [tilespmem:s3+$0x410];
	[tilespmem:s0+$0x420] =	vst v3;
	v5 =	vmov v9  }
0x1bd: {  	s1 =	sadd.s32 $0x200, s1;
	v3 =	vld [tilespmem:s3+$0x420];
	[tilespmem:s0+$0x430] =	vst v7;
	v6 =	vmov v11;
	s0 =	smov.u32 s3  }
0x1be: {  	v7 =	vld [tilespmem:s0+$0x430]  }
0x1bf: {  	s1 =	sld [smem:$0x7F9]  }
0x1c0: {  	s3 =	sld [smem:$0x7F7];
	v2 =	vmul.f32 v5, v2  }
0x1c1: {  	v4 =	vmul.f32 v6, v4  }
0x1c2: {  	s29 =	sld [smem:$0x7FA];
	[tilespmem:s0+$0x400] =	vst v2;
	v1 =	vmul.f32 v1, v3  }
0x1c3: {  	s1 =	sor.u32 s1, s3;
	[tilespmem:s0+$0x410] =	vst v4;
	v0 =	vmul.f32 v0, v7  }
0x1c4: {  	s30 =	simm.s32 $0x400;
	s1 =	sshll.u32 s1, $0x4;
	[tilespmem:s0+$0x420] =	vst v1  }
.Ltmp2:
0x1c5: {  	s31 =	simm.s32 $0x5;
	[tilespmem:s0+$0x430] =	vst v0;
	s0 =	sadd.s32 s29, s1;
	(pc) =	sbr.rel @p0 .LBB2_2-.Ltmp2, $4  }
0x1c6: {  	[hbm4b:s0+s2] =	stream.linear.scatter [tilespmem:s30], [sflag:$0x5], $0x8000, $0x38;
	[tilespmem:$0x10400] =	vst v63  }
0x1c7: {  	_ =	swait.ge [sflag:s31], $0x8000  }
0x1c8: {  	[sflag:s31] =	ssyncset.done $0x0  }
0x1c9: {  	p1 =	por $0x0, $0x0;
	s0 =	simm.s32 $0x100;
	[sflag:s31] =	ssyncadd.s32 $0xFFFF8000  }
0x1ca: {  	s1 =	sld [smem:$0x7F8]  }
0x1cb: {  	s0 =	sld [smem:$0x7FD];
	_ =	sdelay $0x1  }
0x1cc: {  	s1 =	sadd.s32 $0x1, s1  }
0x1cd: {  	p0 =	sne.s32 s1, s0  }
.Ltmp3:
0x1ce: {  	_ = 	snop;
	(pc) =	sbr.rel @p0 .LBB2_1-.Ltmp3, $1  }
0x1cf: {  	_ =	sdelay $0x3  }
0x1d0: {  	_ =	sfence.sel $0x180000  }
0x1d1: {  	[bflag:$0x0] =	sbarrier.arrive $0xFFFF  }
0x1d2: {  	_ =	strace $0x90000047  }
0x1d3: {  	s0 =	stileid.u32;
	[bflag:$0x2] =	sbarrier.arrive $0xFFFF  }
0x1d4: {  	p0 =	sne.s32 s0, $0x0;
	s0 =	rddreg [dreg:$0x2]  }
0x1d5: {  	s0 =	sadd.s32 @!p0 $0x100000, s0  }
0x1d6: {  	[sflag:s0] =	ssyncadd.tile.s32 @!p0 $0x1;
	_ =	shalt  }
.Lfunc_end2:
_tile_overlayer_lowered:
.L_overlay_start_2:
0x1d7: {  	(tag) =	ssettag $0x2  }
0x1d8: {  	s0 =	rddreg [dreg:$0x0];
	s2 =	stileid.u32  }
0x1d9: {  	s1 =	rddreg [dreg:$0x1];
	p0 =	sne.s32 s2, $0x0  }
0x1da: {  	s3 =	rddreg [dreg:$0x2];
	[bflag:$0x3] =	sbarrier.arrive $0xFFFF;
	s2 =	simm.s32 @!p0 $0x1C05  }
0x1db: {  	[timem:s3], [sflag:s2] =	dma.local @!p0 [hbm:s0], s1  }
0x1dc: {  	s0 =	simm.s32 @!p0 $0x5  }
0x1dd: {  	_ =	swait.ge @!p0 [sflag:s0], s1  }
0x1de: {  	s1 =	ssub.s32 @!p0 $0x0, s1;
	[sflag:s0] =	ssyncset.done @!p0 $0x0  }
0x1df: {  	[sflag:s0] =	ssyncadd.s32 @!p0 s1  }
0x1e0: {  	[bflag:$0x3] =	sbarrier.arrive $0xFFFF  }
0x1e1: {  	_ =	shalt  }

</sc_bundles>
